<compile_context>
chip_gen: v7x
topology: tpu7x:2x2x1
jax: 0.10.2.dev20260603
libtpu: 0.0.44.dev20260713+nightly
codegen_flags: <defaults>
</compile_context>

<pallas_src>
import functools

import jax
import jax.numpy as jnp
import numpy as np
from jax import lax
from jax.experimental import pallas as pl
from jax.experimental.pallas import tpu as pltpu
from jax.experimental.pallas import tpu_sc as plsc

_NODES = 336
_NUM_CASE = 16
_TOTAL = 32768
_ACOUSTIC = float(np.sqrt(1.4 * 287 * 300))
_DENSITY = 1.225
_MIU = 1.9e-05
_ALPHA = float(6 * np.pi / 180)
_SPAN = 680
_CHUNKS = _NODES // 16


def _rsqrt(m):
    bits = plsc.bitcast(m, jnp.int32)
    y = plsc.bitcast(jnp.int32(0x5F3759DF) - (bits >> 1), jnp.float32)
    for _ in range(3):
        y = y * (1.5 - 0.5 * m * y * y)
    return y


_CHUNK = _TOTAL // 16


def _sc_body(batch_hbm, cx_hbm, cy_hbm, f0_hbm, f2_hbm, f3_hbm, d3_hbm,
             d4_hbm, out_hbm, bbuf, offs_vmem, cntbuf, xbuf, ybuf, uxbuf,
             uybuf, ptbuf, d3buf, d4buf, taubuf, txbuf, tybuf, obuf,
             cnt_shared, sem):
    core = lax.axis_index("c")
    sub = lax.axis_index("s")
    lanes = lax.iota(jnp.int32, 16)

    b8 = pl.multiple_of(sub * _CHUNK, 8)
    pltpu.sync_copy(batch_hbm.at[pl.ds(b8, _CHUNK)], bbuf)
    lo0 = jnp.zeros((16,), jnp.int32)
    hi0 = jnp.full((16,), _CHUNK, jnp.int32)

    def step(_, carry):
        lo, hi = carry
        mid = (lo + hi) >> 1
        pred = plsc.load_gather(bbuf, [mid]) < lanes
        return jnp.where(pred, mid + 1, lo), jnp.where(pred, hi, mid)

    lo, _ = lax.fori_loop(0, 11, step, (lo0, hi0))
    offs_vmem[...] = lo
    pltpu.sync_copy(offs_vmem, cnt_shared.at[sub])

    plsc.subcore_barrier()

    @pl.when(core == 0)
    def _():
        pltpu.sync_copy(cnt_shared, cntbuf)
        offs_vec = cntbuf[0, :]
        for t in range(1, 16):
            offs_vec = offs_vec + cntbuf[t, :]
        case = sub
        offs = jnp.sum(jnp.where(lanes == case, offs_vec, 0))
        offs = jnp.minimum(offs, _TOTAL - 2 * _NODES)
        base = jnp.minimum(offs, _TOTAL - _SPAN)
        s8 = pl.multiple_of((base // 8) * 8, 8)
        delta = offs - s8

        copies = [
            pltpu.async_copy(cx_hbm.at[pl.ds(s8, _SPAN)], xbuf, sem),
            pltpu.async_copy(cy_hbm.at[pl.ds(s8, _SPAN)], ybuf, sem),
            pltpu.async_copy(f2_hbm.at[pl.ds(s8, _SPAN)], uxbuf, sem),
            pltpu.async_copy(f3_hbm.at[pl.ds(s8, _SPAN)], uybuf, sem),
            pltpu.async_copy(f0_hbm.at[pl.ds(s8, _SPAN)], ptbuf, sem),
            pltpu.async_copy(d3_hbm.at[pl.ds(s8, _SPAN)], d3buf, sem),
            pltpu.async_copy(d4_hbm.at[pl.ds(s8, _SPAN)], d4buf, sem),
        ]
        for c in copies:
            c.wait()

        zero = jnp.zeros((16,), jnp.float32)

        def pass_a(g, acc):
            a_px, a_py, a_d3, a_d4 = acc
            i = g * 16 + lanes
            inext = jnp.where(i == _NODES - 1, 0, i + 1)
            r0 = delta + i
            rn = delta + inext
            r1 = delta + _NODES + i
            x0 = plsc.load_gather(xbuf, [r0])
            y0 = plsc.load_gather(ybuf, [r0])
            xn = plsc.load_gather(xbuf, [rn])
            yn = plsc.load_gather(ybuf, [rn])
            x1 = plsc.load_gather(xbuf, [r1])
            y1 = plsc.load_gather(ybuf, [r1])
            pt = plsc.load_gather(ptbuf, [r0])
            ux = plsc.load_gather(uxbuf, [r1])
            uy = plsc.load_gather(uybuf, [r1])
            d3 = plsc.load_gather(d3buf, [r0])
            d4 = plsc.load_gather(d4buf, [r0])
            tx = xn - x0
            ty = yn - y0
            dx = x1 - x0
            dy = y1 - y0
            m = (tx * tx + ty * ty) * (dx * dx + dy * dy)
            tau = _MIU * (ux * tx + uy * ty) * _rsqrt(m)
            taubuf[pl.ds(g * 16, 16)] = tau
            txbuf[pl.ds(g * 16, 16)] = tx
            tybuf[pl.ds(g * 16, 16)] = ty
            return (a_px + pt * ty, a_py + pt * tx, a_d3 + d3, a_d4 + d4)

        a_px, a_py, a_d3, a_d4 = lax.fori_loop(
            0, _CHUNKS, pass_a, (zero, zero, zero, zero))

        def pass_b(g, acc):
            b_tx, b_ty = acc
            i = g * 16 + lanes
            inext = jnp.where(i == _NODES - 1, 0, i + 1)
            tau_i = taubuf[pl.ds(g * 16, 16)]
            tau_n = plsc.load_gather(taubuf, [inext])
            tx = txbuf[pl.ds(g * 16, 16)]
            ty = tybuf[pl.ds(g * 16, 16)]
            ta = (tau_i + tau_n) * 0.5
            return (b_tx + ta * tx, b_ty + ta * ty)

        b_tx, b_ty = lax.fori_loop(0, _CHUNKS, pass_b, (zero, zero))

        fx = 50.0 * jnp.sum(b_tx) - jnp.sum(a_px)
        fy = 50.0 * jnp.sum(b_ty) + jnp.sum(a_py)
        ma = jnp.sum(a_d3) * (0.3 / _NODES) + 0.3
        af = jnp.sum(a_d4) * (_ALPHA / _NODES)
        a2 = af * af
        ca = 1.0 + a2 * (-0.5 + a2 * (1.0 / 24.0 + a2 * (-1.0 / 720.0)))
        sa = af * (1.0 + a2 * (-1.0 / 6.0 + a2 * (1.0 / 120.0
                                                  + a2 * (-1.0 / 5040.0))))
        fx2 = fx * ca + fy * sa
        fy2 = fy * ca - fx2 * sa
        vel = _ACOUSTIC * ma
        q = 0.5 * _DENSITY * vel * vel
        num = jnp.where(lanes == 0, fx2, jnp.where(lanes == 1, fy2, 0.0))
        res = num / q
        obuf[...] = res
        pltpu.sync_copy(obuf, out_hbm.at[case])


_sc_dynamicor = functools.partial(
    pl.kernel,
    out_type=jax.ShapeDtypeStruct((_NUM_CASE, 16), jnp.float32),
    mesh=plsc.VectorSubcoreMesh(
        core_axis_name="c", subcore_axis_name="s", num_cores=1),
    compiler_params=pltpu.CompilerParams(
        needs_layout_passes=False, use_tc_tiling_on_sc=False),
    scratch_types=[
        pltpu.VMEM((_CHUNK,), jnp.int32),
        pltpu.VMEM((16,), jnp.int32),
        pltpu.VMEM((16, 16), jnp.int32),
        pltpu.VMEM((_SPAN,), jnp.float32),
        pltpu.VMEM((_SPAN,), jnp.float32),
        pltpu.VMEM((_SPAN,), jnp.float32),
        pltpu.VMEM((_SPAN,), jnp.float32),
        pltpu.VMEM((_SPAN,), jnp.float32),
        pltpu.VMEM((_SPAN,), jnp.float32),
        pltpu.VMEM((_SPAN,), jnp.float32),
        pltpu.VMEM((_NODES,), jnp.float32),
        pltpu.VMEM((_NODES,), jnp.float32),
        pltpu.VMEM((_NODES,), jnp.float32),
        pltpu.VMEM((16,), jnp.float32),
        pltpu.VMEM_SHARED((16, 16), jnp.int32),
        pltpu.SemaphoreType.DMA,
    ],
)(_sc_body)


def kernel(batch, coords, fields, design):
    out = _sc_dynamicor(
        batch.astype(jnp.int32),
        coords[:, 0], coords[:, 1],
        fields[:, 0], fields[:, 2], fields[:, 3],
        design[:, 3], design[:, 4],
    )
    return out[:, :2]

# --- scband reference (transcript-rebuilt; emitter-appended) ---
"""Pipeline reference for scband-dynamicor-12945031430867 (READ-ONLY COPY).

The authoritative reference and input builder live on the scoring server;
editing this copy changes nothing except your own understanding.
"""

import jax, jax.numpy as jnp
import numpy as np

NODES_NUM = 336
ACOUSTIC = float(np.sqrt(1.4 * 287 * 300))
DENSITY = 1.225
MIU = 1.9e-05
ALPHA = float(6 * np.pi / 180)


def setup_inputs(seed: int = 0) -> dict:
    key = jax.random.key(seed)
    k1, k2, k3, k4 = jax.random.split(key, 4)
    total = 32768
    num_case = 16
    batch = jnp.sort(jax.random.randint(k1, (total,), 0, num_case)).astype(jnp.int64)
    coords = jax.random.normal(k2, (total, 2), dtype=jnp.float32)
    fields = jax.random.normal(k3, (total, 4), dtype=jnp.float32)
    design = jax.random.normal(k4, (total, 5), dtype=jnp.float32)
    return {"batch": batch, "coords": coords, "fields": fields, "design": design}


def reference(batch, coords, fields, design):
    num_case = 16
    counts = jnp.bincount(batch, length=num_case)
    offs = jnp.concatenate([jnp.zeros((1,), dtype=counts.dtype), jnp.cumsum(counts)[:-1]])
    foils_index = (jnp.arange(NODES_NUM)[None, :] + offs[:, None]).reshape(-1)
    design_g = design[foils_index].reshape((num_case, NODES_NUM, -1))
    foils_nodes0 = coords[foils_index].reshape((num_case, NODES_NUM, -1))
    foils_field0 = fields[foils_index].reshape((num_case, NODES_NUM, -1))
    foils_index2 = foils_index + NODES_NUM
    foils_nodes1 = coords[foils_index2].reshape((num_case, NODES_NUM, -1))
    foils_field1 = fields[foils_index2].reshape((num_case, NODES_NUM, -1))
    ind1 = jnp.arange(NODES_NUM)
    ind2 = jnp.roll(ind1, -1)
    rotat = jnp.array([[0.0, -1.0], [1.0, 0.0]], dtype=jnp.float32)
    pt = foils_field0[:, :, 0]
    pt_ave = (pt[:, ind1] + pt[:, ind1]) / 2.0
    T_vector = foils_nodes0[:, ind2] - foils_nodes0[:, ind1]
    N_vector = jnp.matmul(T_vector, rotat)
    T_norm = jnp.linalg.norm(T_vector, axis=-1)
    N_norm = jnp.linalg.norm(N_vector, axis=-1)
    Pt_n = pt_ave * T_norm
    Px = Pt_n * N_vector[:, :, 0] / N_norm
    Py = Pt_n * N_vector[:, :, 1] / N_norm
    ut = foils_field1[:, :, 2:]
    du = (ut[:, :, 0] * T_vector[:, :, 0] + ut[:, :, 1] * T_vector[:, :, 1]) / T_norm
    delta = jnp.linalg.norm(foils_nodes1 - foils_nodes0, axis=-1)
    tau = MIU * du / delta
    tau_ave = (tau[:, ind1] + tau[:, ind2]) * 0.5
    T_n = tau_ave * T_norm
    Tx = 50 * T_n * T_vector[:, :, 0] / T_norm
    Ty = 50 * T_n * T_vector[:, :, 1] / T_norm
    Fx = jnp.sum(-Px, axis=1) + jnp.sum(Tx, axis=1)
    Fy = jnp.sum(-Py, axis=1) + jnp.sum(Ty, axis=1)
    Ma = jnp.mean(design_g[:, :, 3], axis=1) * 0.3 + 0.3
    af = jnp.mean(design_g[:, :, 4], axis=1) * ALPHA
    Fx = Fx * jnp.cos(af) + Fy * jnp.sin(af)
    Fy = Fy * jnp.cos(af) - Fx * jnp.sin(af)
    velocity = ACOUSTIC * Ma
    Cd = Fx / (0.5 * DENSITY * velocity ** 2)
    Cl = Fy / (0.5 * DENSITY * velocity ** 2)
    return jnp.stack((Cd, Cl), axis=-1)

if __name__ == "__main__":
    import jax
    _d = setup_inputs()
    print(jax.jit(kernel)(*tuple(_d.values())))

</pallas_src>

<mosaic_0001>
#map = affine_map<(d0, d1) -> (0)>
#map1 = affine_map<(d0, d1) -> (0, 0)>
module attributes {stable_mosaic.version = 14 : i64} {
  func.func @_sc_body(%arg0: i32, %arg1: i32, %arg2: memref<32768xi32, #tpu.memory_space<hbm>>, %arg3: memref<32768xf32, #tpu.memory_space<hbm>>, %arg4: memref<32768xf32, #tpu.memory_space<hbm>>, %arg5: memref<32768xf32, #tpu.memory_space<hbm>>, %arg6: memref<32768xf32, #tpu.memory_space<hbm>>, %arg7: memref<32768xf32, #tpu.memory_space<hbm>>, %arg8: memref<32768xf32, #tpu.memory_space<hbm>>, %arg9: memref<32768xf32, #tpu.memory_space<hbm>>, %arg10: memref<16x16xf32, #tpu.memory_space<hbm>>, %arg11: memref<2048xi32, #tpu.memory_space<vmem>>, %arg12: memref<16xi32, #tpu.memory_space<vmem>>, %arg13: memref<16x16xi32, #tpu.memory_space<vmem>>, %arg14: memref<680xf32, #tpu.memory_space<vmem>>, %arg15: memref<680xf32, #tpu.memory_space<vmem>>, %arg16: memref<680xf32, #tpu.memory_space<vmem>>, %arg17: memref<680xf32, #tpu.memory_space<vmem>>, %arg18: memref<680xf32, #tpu.memory_space<vmem>>, %arg19: memref<680xf32, #tpu.memory_space<vmem>>, %arg20: memref<680xf32, #tpu.memory_space<vmem>>, %arg21: memref<336xf32, #tpu.memory_space<vmem>>, %arg22: memref<336xf32, #tpu.memory_space<vmem>>, %arg23: memref<336xf32, #tpu.memory_space<vmem>>, %arg24: memref<16xf32, #tpu.memory_space<vmem>>, %arg25: memref<16x16xi32, #tpu.memory_space<vmem_shared>>, %arg26: memref<!tpu.dma_semaphore, #tpu.memory_space<semaphore_mem>>) attributes {dimension_semantics = [#tpu.dimension_semantics<core_parallel>, #tpu.dimension_semantics<subcore_parallel>], iteration_bounds = array<i64: 1, 16>, scalar_prefetch = 0 : i64, scratch_operands = 16 : i64, tpu.core_type = #tpu.core_type<sc_vector_subcore>, window_params = [{transform_indices = #map}, {transform_indices = #map}, {transform_indices = #map}, {transform_indices = #map}, {transform_indices = #map}, {transform_indices = #map}, {transform_indices = #map}, {transform_indices = #map}, {transform_indices = #map1}]} {
    %iota3A = tpu.iota {dimensions = array<i32: 0>} : vector<16xi32>
    %mul3A = arith.constant 2048 : i32
    %mul3A_0 = arith.muli %arg1, %mul3A : i32
    %multiple_of3A = tpu.assume_multiple %mul3A_0, 8 : i32
    "tpu.region"() ({
      %run_scoped3A = tpu.sem_alloc : memref<!tpu.dma_semaphore, #tpu.memory_space<semaphore_mem>>
      %dma_start3A = tpu.memref_slice %arg2[%multiple_of3A] : memref<32768xi32, #tpu.memory_space<hbm>> -> memref<2048xi32, #tpu.memory_space<hbm>>
      %dma_start3A_12 = tpu.memref_slice %arg2[%multiple_of3A] : memref<32768xi32, #tpu.memory_space<hbm>> -> memref<2048xi32, #tpu.memory_space<hbm>>
      tpu.enqueue_dma source(%dma_start3A_12 : memref<2048xi32, #tpu.memory_space<hbm>>) target(%arg11 : memref<2048xi32, #tpu.memory_space<vmem>>) target_semaphore(%run_scoped3A : memref<!tpu.dma_semaphore, #tpu.memory_space<semaphore_mem>>)
      %dma_wait3A = tpu.memref_slice %arg2[%multiple_of3A] : memref<32768xi32, #tpu.memory_space<hbm>> -> memref<2048xi32, #tpu.memory_space<hbm>>
      %dma_wait3A_13 = tpu.memref_slice %arg2[%multiple_of3A] : memref<32768xi32, #tpu.memory_space<hbm>> -> memref<2048xi32, #tpu.memory_space<hbm>>
      tpu.wait_dma2 semaphore(%run_scoped3A : memref<!tpu.dma_semaphore, #tpu.memory_space<semaphore_mem>>) src(%dma_wait3A_13 : memref<2048xi32, #tpu.memory_space<hbm>>) dst(%arg11 : memref<2048xi32, #tpu.memory_space<vmem>>)
      tpu.yield
    }) : () -> ()
    %broadcast_in_dim3A = arith.constant 0 : i32
    %broadcast_in_dim3A_1 = vector.broadcast %broadcast_in_dim3A : i32 to vector<16xi32>
    %broadcast_in_dim3A_2 = arith.constant 2048 : i32
    %broadcast_in_dim3A_3 = vector.broadcast %broadcast_in_dim3A_2 : i32 to vector<16xi32>
    %scan3A = arith.constant 0 : i32
    %scan3A_4 = arith.constant 11 : i32
    %scan3A_5 = arith.addi %scan3A, %scan3A_4 : i32
    %scan3A_6 = arith.constant 1 : i32
    %scan3A_7:2 = scf.for %scan3A_12 = %scan3A to %scan3A_5 step %scan3A_6 iter_args(%scan3A_13 = %broadcast_in_dim3A_1, %scan3A_14 = %broadcast_in_dim3A_3) -> (vector<16xi32>, vector<16xi32>)  : i32 {
      %add3A = arith.addi %scan3A_13, %scan3A_14 : vector<16xi32>
      %shift_right_arithmetic3A = arith.constant 1 : i32
      %shift_right_arithmetic3A_15 = vector.broadcast %shift_right_arithmetic3A : i32 to vector<16xi32>
      %shift_right_arithmetic3A_16 = arith.shrsi %add3A, %shift_right_arithmetic3A_15 : vector<16xi32>
      %gather3A = tpu.vector_load_idx %arg11[%shift_right_arithmetic3A_16] : memref<2048xi32, #tpu.memory_space<vmem>>[vector<16xi32>], vector<16xi32>,
      %lt3A = arith.cmpi slt, %gather3A, %iota3A : vector<16xi32>
      %add3A_17 = arith.constant 1 : i32
      %add3A_18 = vector.broadcast %add3A_17 : i32 to vector<16xi32>
      %add3A_19 = arith.addi %shift_right_arithmetic3A_16, %add3A_18 : vector<16xi32>
      %select_n3A = arith.select %lt3A, %add3A_19, %scan3A_13 : vector<16xi1>, vector<16xi32>
      %select_n3A_20 = arith.select %lt3A, %scan3A_14, %shift_right_arithmetic3A_16 : vector<16xi1>, vector<16xi32>
      scf.yield %select_n3A, %select_n3A_20 : vector<16xi32>, vector<16xi32>
    }
    %scan3A_8 = arith.constant 11 : i32
    %swap3A = arith.constant 0 : index
    %swap3A_9 = tpu.vector_load %arg12[%swap3A] {strides = array<i32>} : memref<16xi32, #tpu.memory_space<vmem>>, vector<16xi32>,
    tpu.vector_store %arg12[%swap3A], %scan3A_7#0 {strides = array<i32>} : memref<16xi32, #tpu.memory_space<vmem>>, vector<16xi32>,
    "tpu.region"() ({
      %run_scoped3A = tpu.sem_alloc : memref<!tpu.dma_semaphore, #tpu.memory_space<semaphore_mem>>
      %dma_start3A = arith.constant 0 : i32
      %dma_start3A_12 = tpu.memref_slice %arg25[%arg1, %dma_start3A] : memref<16x16xi32, #tpu.memory_space<vmem_shared>> -> memref<1x16xi32, #tpu.memory_space<vmem_shared>>
      %dma_start3A_13 = tpu.memref_squeeze %dma_start3A_12 : memref<1x16xi32, #tpu.memory_space<vmem_shared>> -> memref<16xi32, #tpu.memory_space<vmem_shared>>
      %dma_start3A_14 = arith.constant 0 : i32
      %dma_start3A_15 = tpu.memref_slice %arg25[%arg1, %dma_start3A_14] : memref<16x16xi32, #tpu.memory_space<vmem_shared>> -> memref<1x16xi32, #tpu.memory_space<vmem_shared>>
      %dma_start3A_16 = tpu.memref_squeeze %dma_start3A_15 : memref<1x16xi32, #tpu.memory_space<vmem_shared>> -> memref<16xi32, #tpu.memory_space<vmem_shared>>
      tpu.enqueue_dma source(%arg12 : memref<16xi32, #tpu.memory_space<vmem>>) target(%dma_start3A_16 : memref<16xi32, #tpu.memory_space<vmem_shared>>) target_semaphore(%run_scoped3A : memref<!tpu.dma_semaphore, #tpu.memory_space<semaphore_mem>>)
      %dma_wait3A = arith.constant 0 : i32
      %dma_wait3A_17 = tpu.memref_slice %arg25[%arg1, %dma_wait3A] : memref<16x16xi32, #tpu.memory_space<vmem_shared>> -> memref<1x16xi32, #tpu.memory_space<vmem_shared>>
      %dma_wait3A_18 = tpu.memref_squeeze %dma_wait3A_17 : memref<1x16xi32, #tpu.memory_space<vmem_shared>> -> memref<16xi32, #tpu.memory_space<vmem_shared>>
      %dma_wait3A_19 = arith.constant 0 : i32
      %dma_wait3A_20 = tpu.memref_slice %arg25[%arg1, %dma_wait3A_19] : memref<16x16xi32, #tpu.memory_space<vmem_shared>> -> memref<1x16xi32, #tpu.memory_space<vmem_shared>>
      %dma_wait3A_21 = tpu.memref_squeeze %dma_wait3A_20 : memref<1x16xi32, #tpu.memory_space<vmem_shared>> -> memref<16xi32, #tpu.memory_space<vmem_shared>>
      tpu.wait_dma2 semaphore(%run_scoped3A : memref<!tpu.dma_semaphore, #tpu.memory_space<semaphore_mem>>) src(%arg12 : memref<16xi32, #tpu.memory_space<vmem>>) dst(%dma_wait3A_21 : memref<16xi32, #tpu.memory_space<vmem_shared>>)
      tpu.yield
    }) : () -> ()
    %barrier3A = arith.constant 0 : index
    tpu.barrier barrier_id(%barrier3A)
    %eq3A = arith.constant 0 : i32
    %eq3A_10 = arith.cmpi eq, %arg0, %eq3A : i32
    %convert_element_type3A = arith.extui %eq3A_10 : i1 to i32
    %cond3A = arith.constant 0 : i32
    %cond3A_11 = arith.cmpi ne, %convert_element_type3A, %cond3A : i32
    scf.if %cond3A_11 {
      "tpu.region"() ({
        %run_scoped3A = tpu.sem_alloc : memref<!tpu.dma_semaphore, #tpu.memory_space<semaphore_mem>>
        tpu.enqueue_dma source(%arg25 : memref<16x16xi32, #tpu.memory_space<vmem_shared>>) target(%arg13 : memref<16x16xi32, #tpu.memory_space<vmem>>) target_semaphore(%run_scoped3A : memref<!tpu.dma_semaphore, #tpu.memory_space<semaphore_mem>>)
        tpu.wait_dma2 semaphore(%run_scoped3A : memref<!tpu.dma_semaphore, #tpu.memory_space<semaphore_mem>>) src(%arg25 : memref<16x16xi32, #tpu.memory_space<vmem_shared>>) dst(%arg13 : memref<16x16xi32, #tpu.memory_space<vmem>>)
        tpu.yield
      }) : () -> ()
      %get3A = arith.constant 0 : i32
      %get3A_12 = arith.index_cast %get3A : i32 to index
      %get3A_13 = arith.constant 0 : index
      %get3A_14 = tpu.vector_load %arg13[%get3A_12, %get3A_13] {strides = array<i32>} : memref<16x16xi32, #tpu.memory_space<vmem>>, vector<16xi32>,
      %get3A_15 = arith.constant 1 : i32
      %get3A_16 = arith.index_cast %get3A_15 : i32 to index
      %get3A_17 = arith.constant 0 : index
      %get3A_18 = tpu.vector_load %arg13[%get3A_16, %get3A_17] {strides = array<i32>} : memref<16x16xi32, #tpu.memory_space<vmem>>, vector<16xi32>,
      %add3A = arith.addi %get3A_14, %get3A_18 : vector<16xi32>
      %get3A_19 = arith.constant 2 : i32
      %get3A_20 = arith.index_cast %get3A_19 : i32 to index
      %get3A_21 = arith.constant 0 : index
      %get3A_22 = tpu.vector_load %arg13[%get3A_20, %get3A_21] {strides = array<i32>} : memref<16x16xi32, #tpu.memory_space<vmem>>, vector<16xi32>,
      %add3A_23 = arith.addi %add3A, %get3A_22 : vector<16xi32>
      %get3A_24 = arith.constant 3 : i32
      %get3A_25 = arith.index_cast %get3A_24 : i32 to index
      %get3A_26 = arith.constant 0 : index
      %get3A_27 = tpu.vector_load %arg13[%get3A_25, %get3A_26] {strides = array<i32>} : memref<16x16xi32, #tpu.memory_space<vmem>>, vector<16xi32>,
      %add3A_28 = arith.addi %add3A_23, %get3A_27 : vector<16xi32>
      %get3A_29 = arith.constant 4 : i32
      %get3A_30 = arith.index_cast %get3A_29 : i32 to index
      %get3A_31 = arith.constant 0 : index
      %get3A_32 = tpu.vector_load %arg13[%get3A_30, %get3A_31] {strides = array<i32>} : memref<16x16xi32, #tpu.memory_space<vmem>>, vector<16xi32>,
      %add3A_33 = arith.addi %add3A_28, %get3A_32 : vector<16xi32>
      %get3A_34 = arith.constant 5 : i32
      %get3A_35 = arith.index_cast %get3A_34 : i32 to index
      %get3A_36 = arith.constant 0 : index
      %get3A_37 = tpu.vector_load %arg13[%get3A_35, %get3A_36] {strides = array<i32>} : memref<16x16xi32, #tpu.memory_space<vmem>>, vector<16xi32>,
      %add3A_38 = arith.addi %add3A_33, %get3A_37 : vector<16xi32>
      %get3A_39 = arith.constant 6 : i32
      %get3A_40 = arith.index_cast %get3A_39 : i32 to index
      %get3A_41 = arith.constant 0 : index
      %get3A_42 = tpu.vector_load %arg13[%get3A_40, %get3A_41] {strides = array<i32>} : memref<16x16xi32, #tpu.memory_space<vmem>>, vector<16xi32>,
      %add3A_43 = arith.addi %add3A_38, %get3A_42 : vector<16xi32>
      %get3A_44 = arith.constant 7 : i32
      %get3A_45 = arith.index_cast %get3A_44 : i32 to index
      %get3A_46 = arith.constant 0 : index
      %get3A_47 = tpu.vector_load %arg13[%get3A_45, %get3A_46] {strides = array<i32>} : memref<16x16xi32, #tpu.memory_space<vmem>>, vector<16xi32>,
      %add3A_48 = arith.addi %add3A_43, %get3A_47 : vector<16xi32>
      %get3A_49 = arith.constant 8 : i32
      %get3A_50 = arith.index_cast %get3A_49 : i32 to index
      %get3A_51 = arith.constant 0 : index
      %get3A_52 = tpu.vector_load %arg13[%get3A_50, %get3A_51] {strides = array<i32>} : memref<16x16xi32, #tpu.memory_space<vmem>>, vector<16xi32>,
      %add3A_53 = arith.addi %add3A_48, %get3A_52 : vector<16xi32>
      %get3A_54 = arith.constant 9 : i32
      %get3A_55 = arith.index_cast %get3A_54 : i32 to index
      %get3A_56 = arith.constant 0 : index
      %get3A_57 = tpu.vector_load %arg13[%get3A_55, %get3A_56] {strides = array<i32>} : memref<16x16xi32, #tpu.memory_space<vmem>>, vector<16xi32>,
      %add3A_58 = arith.addi %add3A_53, %get3A_57 : vector<16xi32>
      %get3A_59 = arith.constant 10 : i32
      %get3A_60 = arith.index_cast %get3A_59 : i32 to index
      %get3A_61 = arith.constant 0 : index
      %get3A_62 = tpu.vector_load %arg13[%get3A_60, %get3A_61] {strides = array<i32>} : memref<16x16xi32, #tpu.memory_space<vmem>>, vector<16xi32>,
      %add3A_63 = arith.addi %add3A_58, %get3A_62 : vector<16xi32>
      %get3A_64 = arith.constant 11 : i32
      %get3A_65 = arith.index_cast %get3A_64 : i32 to index
      %get3A_66 = arith.constant 0 : index
      %get3A_67 = tpu.vector_load %arg13[%get3A_65, %get3A_66] {strides = array<i32>} : memref<16x16xi32, #tpu.memory_space<vmem>>, vector<16xi32>,
      %add3A_68 = arith.addi %add3A_63, %get3A_67 : vector<16xi32>
      %get3A_69 = arith.constant 12 : i32
      %get3A_70 = arith.index_cast %get3A_69 : i32 to index
      %get3A_71 = arith.constant 0 : index
      %get3A_72 = tpu.vector_load %arg13[%get3A_70, %get3A_71] {strides = array<i32>} : memref<16x16xi32, #tpu.memory_space<vmem>>, vector<16xi32>,
      %add3A_73 = arith.addi %add3A_68, %get3A_72 : vector<16xi32>
      %get3A_74 = arith.constant 13 : i32
      %get3A_75 = arith.index_cast %get3A_74 : i32 to index
      %get3A_76 = arith.constant 0 : index
      %get3A_77 = tpu.vector_load %arg13[%get3A_75, %get3A_76] {strides = array<i32>} : memref<16x16xi32, #tpu.memory_space<vmem>>, vector<16xi32>,
      %add3A_78 = arith.addi %add3A_73, %get3A_77 : vector<16xi32>
      %get3A_79 = arith.constant 14 : i32
      %get3A_80 = arith.index_cast %get3A_79 : i32 to index
      %get3A_81 = arith.constant 0 : index
      %get3A_82 = tpu.vector_load %arg13[%get3A_80, %get3A_81] {strides = array<i32>} : memref<16x16xi32, #tpu.memory_space<vmem>>, vector<16xi32>,
      %add3A_83 = arith.addi %add3A_78, %get3A_82 : vector<16xi32>
      %get3A_84 = arith.constant 15 : i32
      %get3A_85 = arith.index_cast %get3A_84 : i32 to index
      %get3A_86 = arith.constant 0 : index
      %get3A_87 = tpu.vector_load %arg13[%get3A_85, %get3A_86] {strides = array<i32>} : memref<16x16xi32, #tpu.memory_space<vmem>>, vector<16xi32>,
      %add3A_88 = arith.addi %add3A_83, %get3A_87 : vector<16xi32>
      %eq3A_89 = vector.broadcast %arg1 : i32 to vector<16xi32>
      %eq3A_90 = arith.cmpi eq, %iota3A, %eq3A_89 : vector<16xi32>
      %jit3A = arith.constant 0 : i32
      %broadcast_in_dim3A_91 = vector.broadcast %jit3A : i32 to vector<16xi32>
      %select_n3A = arith.select %eq3A_90, %add3A_88, %broadcast_in_dim3A_91 : vector<16xi1>, vector<16xi32>
      %reduce_sum3A = arith.constant true
      %reduce_sum3A_92 = vector.broadcast %reduce_sum3A : i1 to vector<16xi1>
      %reduce_sum3A_93 = tpu.scan <sum>, %select_n3A masked %reduce_sum3A_92 : vector<16xi32>, vector<16xi1> -> vector<16xi32>
      %reduce_sum3A_94 = vector.extract %reduce_sum3A_93[15] : i32 from vector<16xi32>
      %min3A = arith.constant 32096 : i32
      %min3A_95 = arith.minsi %reduce_sum3A_94, %min3A : i32
      %min3A_96 = arith.constant 32088 : i32
      %min3A_97 = arith.minsi %min3A_95, %min3A_96 : i32
      %jit3A_98 = arith.constant 8 : i32
      %div3A = arith.divsi %min3A_97, %jit3A_98 : i32
      %sign3A = arith.constant 0 : i32
      %sign3A_99 = arith.cmpi sgt, %min3A_97, %sign3A : i32
      %sign3A_100 = arith.extui %sign3A_99 : i1 to i32
      %sign3A_101 = arith.constant 0 : i32
      %sign3A_102 = arith.cmpi slt, %min3A_97, %sign3A_101 : i32
      %sign3A_103 = arith.extui %sign3A_102 : i1 to i32
      %sign3A_104 = arith.subi %sign3A_100, %sign3A_103 : i32
      %sign3A_105 = arith.constant 0 : i32
      %sign3A_106 = arith.cmpi sgt, %jit3A_98, %sign3A_105 : i32
      %sign3A_107 = arith.extui %sign3A_106 : i1 to i32
      %sign3A_108 = arith.constant 0 : i32
      %sign3A_109 = arith.cmpi slt, %jit3A_98, %sign3A_108 : i32
      %sign3A_110 = arith.extui %sign3A_109 : i1 to i32
      %sign3A_111 = arith.subi %sign3A_107, %sign3A_110 : i32
      %ne3A = arith.cmpi ne, %sign3A_104, %sign3A_111 : i32
      %rem3A = arith.remsi %min3A_97, %jit3A_98 : i32
      %ne3A_112 = arith.constant 0 : i32
      %ne3A_113 = arith.cmpi ne, %rem3A, %ne3A_112 : i32
      %and3A = arith.andi %ne3A, %ne3A_113 : i1
      %sub3A = arith.constant 1 : i32
      %sub3A_114 = arith.subi %div3A, %sub3A : i32
      %select_n3A_115 = arith.select %and3A, %sub3A_114, %div3A : i32
      %mul3A_116 = arith.constant 8 : i32
      %mul3A_117 = arith.muli %select_n3A_115, %mul3A_116 : i32
      %multiple_of3A_118 = tpu.assume_multiple %mul3A_117, 8 : i32
      %sub3A_119 = arith.subi %min3A_95, %multiple_of3A_118 : i32
      %dma_start3A = tpu.memref_slice %arg3[%multiple_of3A_118] : memref<32768xf32, #tpu.memory_space<hbm>> -> memref<680xf32, #tpu.memory_space<hbm>>
      %dma_start3A_120 = tpu.memref_slice %arg3[%multiple_of3A_118] : memref<32768xf32, #tpu.memory_space<hbm>> -> memref<680xf32, #tpu.memory_space<hbm>>
      tpu.enqueue_dma source(%dma_start3A_120 : memref<680xf32, #tpu.memory_space<hbm>>) target(%arg14 : memref<680xf32, #tpu.memory_space<vmem>>) target_semaphore(%arg26 : memref<!tpu.dma_semaphore, #tpu.memory_space<semaphore_mem>>)
      %dma_start3A_121 = tpu.memref_slice %arg4[%multiple_of3A_118] : memref<32768xf32, #tpu.memory_space<hbm>> -> memref<680xf32, #tpu.memory_space<hbm>>
      %dma_start3A_122 = tpu.memref_slice %arg4[%multiple_of3A_118] : memref<32768xf32, #tpu.memory_space<hbm>> -> memref<680xf32, #tpu.memory_space<hbm>>
      tpu.enqueue_dma source(%dma_start3A_122 : memref<680xf32, #tpu.memory_space<hbm>>) target(%arg15 : memref<680xf32, #tpu.memory_space<vmem>>) target_semaphore(%arg26 : memref<!tpu.dma_semaphore, #tpu.memory_space<semaphore_mem>>)
      %dma_start3A_123 = tpu.memref_slice %arg6[%multiple_of3A_118] : memref<32768xf32, #tpu.memory_space<hbm>> -> memref<680xf32, #tpu.memory_space<hbm>>
      %dma_start3A_124 = tpu.memref_slice %arg6[%multiple_of3A_118] : memref<32768xf32, #tpu.memory_space<hbm>> -> memref<680xf32, #tpu.memory_space<hbm>>
      tpu.enqueue_dma source(%dma_start3A_124 : memref<680xf32, #tpu.memory_space<hbm>>) target(%arg16 : memref<680xf32, #tpu.memory_space<vmem>>) target_semaphore(%arg26 : memref<!tpu.dma_semaphore, #tpu.memory_space<semaphore_mem>>)
      %dma_start3A_125 = tpu.memref_slice %arg7[%multiple_of3A_118] : memref<32768xf32, #tpu.memory_space<hbm>> -> memref<680xf32, #tpu.memory_space<hbm>>
      %dma_start3A_126 = tpu.memref_slice %arg7[%multiple_of3A_118] : memref<32768xf32, #tpu.memory_space<hbm>> -> memref<680xf32, #tpu.memory_space<hbm>>
      tpu.enqueue_dma source(%dma_start3A_126 : memref<680xf32, #tpu.memory_space<hbm>>) target(%arg17 : memref<680xf32, #tpu.memory_space<vmem>>) target_semaphore(%arg26 : memref<!tpu.dma_semaphore, #tpu.memory_space<semaphore_mem>>)
      %dma_start3A_127 = tpu.memref_slice %arg5[%multiple_of3A_118] : memref<32768xf32, #tpu.memory_space<hbm>> -> memref<680xf32, #tpu.memory_space<hbm>>
      %dma_start3A_128 = tpu.memref_slice %arg5[%multiple_of3A_118] : memref<32768xf32, #tpu.memory_space<hbm>> -> memref<680xf32, #tpu.memory_space<hbm>>
      tpu.enqueue_dma source(%dma_start3A_128 : memref<680xf32, #tpu.memory_space<hbm>>) target(%arg18 : memref<680xf32, #tpu.memory_space<vmem>>) target_semaphore(%arg26 : memref<!tpu.dma_semaphore, #tpu.memory_space<semaphore_mem>>)
      %dma_start3A_129 = tpu.memref_slice %arg8[%multiple_of3A_118] : memref<32768xf32, #tpu.memory_space<hbm>> -> memref<680xf32, #tpu.memory_space<hbm>>
      %dma_start3A_130 = tpu.memref_slice %arg8[%multiple_of3A_118] : memref<32768xf32, #tpu.memory_space<hbm>> -> memref<680xf32, #tpu.memory_space<hbm>>
      tpu.enqueue_dma source(%dma_start3A_130 : memref<680xf32, #tpu.memory_space<hbm>>) target(%arg19 : memref<680xf32, #tpu.memory_space<vmem>>) target_semaphore(%arg26 : memref<!tpu.dma_semaphore, #tpu.memory_space<semaphore_mem>>)
      %dma_start3A_131 = tpu.memref_slice %arg9[%multiple_of3A_118] : memref<32768xf32, #tpu.memory_space<hbm>> -> memref<680xf32, #tpu.memory_space<hbm>>
      %dma_start3A_132 = tpu.memref_slice %arg9[%multiple_of3A_118] : memref<32768xf32, #tpu.memory_space<hbm>> -> memref<680xf32, #tpu.memory_space<hbm>>
      tpu.enqueue_dma source(%dma_start3A_132 : memref<680xf32, #tpu.memory_space<hbm>>) target(%arg20 : memref<680xf32, #tpu.memory_space<vmem>>) target_semaphore(%arg26 : memref<!tpu.dma_semaphore, #tpu.memory_space<semaphore_mem>>)
      %dma_wait3A = tpu.memref_slice %arg3[%multiple_of3A_118] : memref<32768xf32, #tpu.memory_space<hbm>> -> memref<680xf32, #tpu.memory_space<hbm>>
      %dma_wait3A_133 = tpu.memref_slice %arg3[%multiple_of3A_118] : memref<32768xf32, #tpu.memory_space<hbm>> -> memref<680xf32, #tpu.memory_space<hbm>>
      tpu.wait_dma2 semaphore(%arg26 : memref<!tpu.dma_semaphore, #tpu.memory_space<semaphore_mem>>) src(%dma_wait3A_133 : memref<680xf32, #tpu.memory_space<hbm>>) dst(%arg14 : memref<680xf32, #tpu.memory_space<vmem>>)
      %dma_wait3A_134 = tpu.memref_slice %arg4[%multiple_of3A_118] : memref<32768xf32, #tpu.memory_space<hbm>> -> memref<680xf32, #tpu.memory_space<hbm>>
      %dma_wait3A_135 = tpu.memref_slice %arg4[%multiple_of3A_118] : memref<32768xf32, #tpu.memory_space<hbm>> -> memref<680xf32, #tpu.memory_space<hbm>>
      tpu.wait_dma2 semaphore(%arg26 : memref<!tpu.dma_semaphore, #tpu.memory_space<semaphore_mem>>) src(%dma_wait3A_135 : memref<680xf32, #tpu.memory_space<hbm>>) dst(%arg15 : memref<680xf32, #tpu.memory_space<vmem>>)
      %dma_wait3A_136 = tpu.memref_slice %arg6[%multiple_of3A_118] : memref<32768xf32, #tpu.memory_space<hbm>> -> memref<680xf32, #tpu.memory_space<hbm>>
      %dma_wait3A_137 = tpu.memref_slice %arg6[%multiple_of3A_118] : memref<32768xf32, #tpu.memory_space<hbm>> -> memref<680xf32, #tpu.memory_space<hbm>>
      tpu.wait_dma2 semaphore(%arg26 : memref<!tpu.dma_semaphore, #tpu.memory_space<semaphore_mem>>) src(%dma_wait3A_137 : memref<680xf32, #tpu.memory_space<hbm>>) dst(%arg16 : memref<680xf32, #tpu.memory_space<vmem>>)
      %dma_wait3A_138 = tpu.memref_slice %arg7[%multiple_of3A_118] : memref<32768xf32, #tpu.memory_space<hbm>> -> memref<680xf32, #tpu.memory_space<hbm>>
      %dma_wait3A_139 = tpu.memref_slice %arg7[%multiple_of3A_118] : memref<32768xf32, #tpu.memory_space<hbm>> -> memref<680xf32, #tpu.memory_space<hbm>>
      tpu.wait_dma2 semaphore(%arg26 : memref<!tpu.dma_semaphore, #tpu.memory_space<semaphore_mem>>) src(%dma_wait3A_139 : memref<680xf32, #tpu.memory_space<hbm>>) dst(%arg17 : memref<680xf32, #tpu.memory_space<vmem>>)
      %dma_wait3A_140 = tpu.memref_slice %arg5[%multiple_of3A_118] : memref<32768xf32, #tpu.memory_space<hbm>> -> memref<680xf32, #tpu.memory_space<hbm>>
      %dma_wait3A_141 = tpu.memref_slice %arg5[%multiple_of3A_118] : memref<32768xf32, #tpu.memory_space<hbm>> -> memref<680xf32, #tpu.memory_space<hbm>>
      tpu.wait_dma2 semaphore(%arg26 : memref<!tpu.dma_semaphore, #tpu.memory_space<semaphore_mem>>) src(%dma_wait3A_141 : memref<680xf32, #tpu.memory_space<hbm>>) dst(%arg18 : memref<680xf32, #tpu.memory_space<vmem>>)
      %dma_wait3A_142 = tpu.memref_slice %arg8[%multiple_of3A_118] : memref<32768xf32, #tpu.memory_space<hbm>> -> memref<680xf32, #tpu.memory_space<hbm>>
      %dma_wait3A_143 = tpu.memref_slice %arg8[%multiple_of3A_118] : memref<32768xf32, #tpu.memory_space<hbm>> -> memref<680xf32, #tpu.memory_space<hbm>>
      tpu.wait_dma2 semaphore(%arg26 : memref<!tpu.dma_semaphore, #tpu.memory_space<semaphore_mem>>) src(%dma_wait3A_143 : memref<680xf32, #tpu.memory_space<hbm>>) dst(%arg19 : memref<680xf32, #tpu.memory_space<vmem>>)
      %dma_wait3A_144 = tpu.memref_slice %arg9[%multiple_of3A_118] : memref<32768xf32, #tpu.memory_space<hbm>> -> memref<680xf32, #tpu.memory_space<hbm>>
      %dma_wait3A_145 = tpu.memref_slice %arg9[%multiple_of3A_118] : memref<32768xf32, #tpu.memory_space<hbm>> -> memref<680xf32, #tpu.memory_space<hbm>>
      tpu.wait_dma2 semaphore(%arg26 : memref<!tpu.dma_semaphore, #tpu.memory_space<semaphore_mem>>) src(%dma_wait3A_145 : memref<680xf32, #tpu.memory_space<hbm>>) dst(%arg20 : memref<680xf32, #tpu.memory_space<vmem>>)
      %broadcast_in_dim3A_146 = arith.constant 0.000000e+00 : f32
      %broadcast_in_dim3A_147 = vector.broadcast %broadcast_in_dim3A_146 : f32 to vector<16xf32>
      %scan3A_148 = arith.constant 0 : i32
      %scan3A_149 = arith.constant 21 : i32
      %scan3A_150 = arith.addi %scan3A_148, %scan3A_149 : i32
      %scan3A_151 = arith.constant 1 : i32
      %scan3A_152:4 = scf.for %scan3A_245 = %scan3A_148 to %scan3A_150 step %scan3A_151 iter_args(%scan3A_246 = %broadcast_in_dim3A_147, %scan3A_247 = %broadcast_in_dim3A_147, %scan3A_248 = %broadcast_in_dim3A_147, %scan3A_249 = %broadcast_in_dim3A_147) -> (vector<16xf32>, vector<16xf32>, vector<16xf32>, vector<16xf32>)  : i32 {
        %mul3A_250 = arith.constant 16 : i32
        %mul3A_251 = arith.muli %scan3A_245, %mul3A_250 : i32
        %add3A_252 = vector.broadcast %mul3A_251 : i32 to vector<16xi32>
        %add3A_253 = arith.addi %add3A_252, %iota3A : vector<16xi32>
        %eq3A_254 = arith.constant 335 : i32
        %eq3A_255 = vector.broadcast %eq3A_254 : i32 to vector<16xi32>
        %eq3A_256 = arith.cmpi eq, %add3A_253, %eq3A_255 : vector<16xi32>
        %add3A_257 = arith.constant 1 : i32
        %add3A_258 = vector.broadcast %add3A_257 : i32 to vector<16xi32>
        %add3A_259 = arith.addi %add3A_253, %add3A_258 : vector<16xi32>
        %jit3A_260 = arith.constant 0 : i32
        %broadcast_in_dim3A_261 = vector.broadcast %jit3A_260 : i32 to vector<16xi32>
        %select_n3A_262 = arith.select %eq3A_256, %broadcast_in_dim3A_261, %add3A_259 : vector<16xi1>, vector<16xi32>
        %add3A_263 = vector.broadcast %sub3A_119 : i32 to vector<16xi32>
        %add3A_264 = arith.addi %add3A_263, %add3A_253 : vector<16xi32>
        %add3A_265 = vector.broadcast %sub3A_119 : i32 to vector<16xi32>
        %add3A_266 = arith.addi %add3A_265, %select_n3A_262 : vector<16xi32>
        %add3A_267 = arith.constant 336 : i32
        %add3A_268 = arith.addi %sub3A_119, %add3A_267 : i32
        %add3A_269 = vector.broadcast %add3A_268 : i32 to vector<16xi32>
        %add3A_270 = arith.addi %add3A_269, %add3A_253 : vector<16xi32>
        %gather3A = tpu.vector_load_idx %arg14[%add3A_264] : memref<680xf32, #tpu.memory_space<vmem>>[vector<16xi32>], vector<16xf32>,
        %gather3A_271 = tpu.vector_load_idx %arg15[%add3A_264] : memref<680xf32, #tpu.memory_space<vmem>>[vector<16xi32>], vector<16xf32>,
        %gather3A_272 = tpu.vector_load_idx %arg14[%add3A_266] : memref<680xf32, #tpu.memory_space<vmem>>[vector<16xi32>], vector<16xf32>,
        %gather3A_273 = tpu.vector_load_idx %arg15[%add3A_266] : memref<680xf32, #tpu.memory_space<vmem>>[vector<16xi32>], vector<16xf32>,
        %gather3A_274 = tpu.vector_load_idx %arg14[%add3A_270] : memref<680xf32, #tpu.memory_space<vmem>>[vector<16xi32>], vector<16xf32>,
        %gather3A_275 = tpu.vector_load_idx %arg15[%add3A_270] : memref<680xf32, #tpu.memory_space<vmem>>[vector<16xi32>], vector<16xf32>,
        %gather3A_276 = tpu.vector_load_idx %arg18[%add3A_264] : memref<680xf32, #tpu.memory_space<vmem>>[vector<16xi32>], vector<16xf32>,
        %gather3A_277 = tpu.vector_load_idx %arg16[%add3A_270] : memref<680xf32, #tpu.memory_space<vmem>>[vector<16xi32>], vector<16xf32>,
        %gather3A_278 = tpu.vector_load_idx %arg17[%add3A_270] : memref<680xf32, #tpu.memory_space<vmem>>[vector<16xi32>], vector<16xf32>,
        %gather3A_279 = tpu.vector_load_idx %arg19[%add3A_264] : memref<680xf32, #tpu.memory_space<vmem>>[vector<16xi32>], vector<16xf32>,
        %gather3A_280 = tpu.vector_load_idx %arg20[%add3A_264] : memref<680xf32, #tpu.memory_space<vmem>>[vector<16xi32>], vector<16xf32>,
        %sub3A_281 = arith.subf %gather3A_272, %gather3A : vector<16xf32>
        %sub3A_282 = arith.subf %gather3A_273, %gather3A_271 : vector<16xf32>
        %sub3A_283 = arith.subf %gather3A_274, %gather3A : vector<16xf32>
        %sub3A_284 = arith.subf %gather3A_275, %gather3A_271 : vector<16xf32>
        %mul3A_285 = arith.mulf %sub3A_281, %sub3A_281 : vector<16xf32>
        %mul3A_286 = arith.mulf %sub3A_282, %sub3A_282 : vector<16xf32>
        %add3A_287 = arith.addf %mul3A_285, %mul3A_286 : vector<16xf32>
        %mul3A_288 = arith.mulf %sub3A_283, %sub3A_283 : vector<16xf32>
        %mul3A_289 = arith.mulf %sub3A_284, %sub3A_284 : vector<16xf32>
        %add3A_290 = arith.addf %mul3A_288, %mul3A_289 : vector<16xf32>
        %mul3A_291 = arith.mulf %add3A_287, %add3A_290 : vector<16xf32>
        %mul3A_292 = arith.mulf %gather3A_277, %sub3A_281 : vector<16xf32>
        %mul3A_293 = arith.mulf %gather3A_278, %sub3A_282 : vector<16xf32>
        %add3A_294 = arith.addf %mul3A_292, %mul3A_293 : vector<16xf32>
        %mul3A_295 = arith.constant 1.900000e-05 : f32
        %mul3A_296 = vector.broadcast %mul3A_295 : f32 to vector<16xf32>
        %mul3A_297 = arith.mulf %mul3A_296, %add3A_294 : vector<16xf32>
        %bitcast3A = vector.bitcast %mul3A_291 : vector<16xf32> to vector<16xi32>
        %shift_right_arithmetic3A = arith.constant 1 : i32
        %shift_right_arithmetic3A_298 = vector.broadcast %shift_right_arithmetic3A : i32 to vector<16xi32>
        %shift_right_arithmetic3A_299 = arith.shrsi %bitcast3A, %shift_right_arithmetic3A_298 : vector<16xi32>
        %sub3A_300 = arith.constant 1597463007 : i32
        %sub3A_301 = vector.broadcast %sub3A_300 : i32 to vector<16xi32>
        %sub3A_302 = arith.subi %sub3A_301, %shift_right_arithmetic3A_299 : vector<16xi32>
        %bitcast3A_303 = vector.bitcast %sub3A_302 : vector<16xi32> to vector<16xf32>
        %mul3A_304 = arith.constant 5.000000e-01 : f32
        %mul3A_305 = vector.broadcast %mul3A_304 : f32 to vector<16xf32>
        %mul3A_306 = arith.mulf %mul3A_305, %mul3A_291 : vector<16xf32>
        %mul3A_307 = arith.mulf %mul3A_306, %bitcast3A_303 : vector<16xf32>
        %mul3A_308 = arith.mulf %mul3A_307, %bitcast3A_303 : vector<16xf32>
        %sub3A_309 = arith.constant 1.500000e+00 : f32
        %sub3A_310 = vector.broadcast %sub3A_309 : f32 to vector<16xf32>
        %sub3A_311 = arith.subf %sub3A_310, %mul3A_308 : vector<16xf32>
        %mul3A_312 = arith.mulf %bitcast3A_303, %sub3A_311 : vector<16xf32>
        %mul3A_313 = arith.constant 5.000000e-01 : f32
        %mul3A_314 = vector.broadcast %mul3A_313 : f32 to vector<16xf32>
        %mul3A_315 = arith.mulf %mul3A_314, %mul3A_291 : vector<16xf32>
        %mul3A_316 = arith.mulf %mul3A_315, %mul3A_312 : vector<16xf32>
        %mul3A_317 = arith.mulf %mul3A_316, %mul3A_312 : vector<16xf32>
        %sub3A_318 = arith.constant 1.500000e+00 : f32
        %sub3A_319 = vector.broadcast %sub3A_318 : f32 to vector<16xf32>
        %sub3A_320 = arith.subf %sub3A_319, %mul3A_317 : vector<16xf32>
        %mul3A_321 = arith.mulf %mul3A_312, %sub3A_320 : vector<16xf32>
        %mul3A_322 = arith.constant 5.000000e-01 : f32
        %mul3A_323 = vector.broadcast %mul3A_322 : f32 to vector<16xf32>
        %mul3A_324 = arith.mulf %mul3A_323, %mul3A_291 : vector<16xf32>
        %mul3A_325 = arith.mulf %mul3A_324, %mul3A_321 : vector<16xf32>
        %mul3A_326 = arith.mulf %mul3A_325, %mul3A_321 : vector<16xf32>
        %sub3A_327 = arith.constant 1.500000e+00 : f32
        %sub3A_328 = vector.broadcast %sub3A_327 : f32 to vector<16xf32>
        %sub3A_329 = arith.subf %sub3A_328, %mul3A_326 : vector<16xf32>
        %mul3A_330 = arith.mulf %mul3A_321, %sub3A_329 : vector<16xf32>
        %mul3A_331 = arith.mulf %mul3A_297, %mul3A_330 : vector<16xf32>
        %mul3A_332 = arith.constant 16 : i32
        %mul3A_333 = arith.muli %scan3A_245, %mul3A_332 : i32
        %swap3A_334 = arith.index_cast %mul3A_333 : i32 to index
        %swap3A_335 = tpu.vector_load %arg21[%swap3A_334] {strides = array<i32>} : memref<336xf32, #tpu.memory_space<vmem>>, vector<16xf32>,
        tpu.vector_store %arg21[%swap3A_334], %mul3A_331 {strides = array<i32>} : memref<336xf32, #tpu.memory_space<vmem>>, vector<16xf32>,
        %mul3A_336 = arith.constant 16 : i32
        %mul3A_337 = arith.muli %scan3A_245, %mul3A_336 : i32
        %swap3A_338 = arith.index_cast %mul3A_337 : i32 to index
        %swap3A_339 = tpu.vector_load %arg22[%swap3A_338] {strides = array<i32>} : memref<336xf32, #tpu.memory_space<vmem>>, vector<16xf32>,
        tpu.vector_store %arg22[%swap3A_338], %sub3A_281 {strides = array<i32>} : memref<336xf32, #tpu.memory_space<vmem>>, vector<16xf32>,
        %mul3A_340 = arith.constant 16 : i32
        %mul3A_341 = arith.muli %scan3A_245, %mul3A_340 : i32
        %swap3A_342 = arith.index_cast %mul3A_341 : i32 to index
        %swap3A_343 = tpu.vector_load %arg23[%swap3A_342] {strides = array<i32>} : memref<336xf32, #tpu.memory_space<vmem>>, vector<16xf32>,
        tpu.vector_store %arg23[%swap3A_342], %sub3A_282 {strides = array<i32>} : memref<336xf32, #tpu.memory_space<vmem>>, vector<16xf32>,
        %mul3A_344 = arith.mulf %gather3A_276, %sub3A_282 : vector<16xf32>
        %add3A_345 = arith.addf %scan3A_246, %mul3A_344 : vector<16xf32>
        %mul3A_346 = arith.mulf %gather3A_276, %sub3A_281 : vector<16xf32>
        %add3A_347 = arith.addf %scan3A_247, %mul3A_346 : vector<16xf32>
        %add3A_348 = arith.addf %scan3A_248, %gather3A_279 : vector<16xf32>
        %add3A_349 = arith.addf %scan3A_249, %gather3A_280 : vector<16xf32>
        scf.yield %add3A_345, %add3A_347, %add3A_348, %add3A_349 : vector<16xf32>, vector<16xf32>, vector<16xf32>, vector<16xf32>
      }
      %scan3A_153 = arith.constant 21 : i32
      %scan3A_154 = arith.constant 0 : i32
      %scan3A_155 = arith.constant 21 : i32
      %scan3A_156 = arith.addi %scan3A_154, %scan3A_155 : i32
      %scan3A_157 = arith.constant 1 : i32
      %scan3A_158:2 = scf.for %scan3A_245 = %scan3A_154 to %scan3A_156 step %scan3A_157 iter_args(%scan3A_246 = %broadcast_in_dim3A_147, %scan3A_247 = %broadcast_in_dim3A_147) -> (vector<16xf32>, vector<16xf32>)  : i32 {
        %mul3A_248 = arith.constant 16 : i32
        %mul3A_249 = arith.muli %scan3A_245, %mul3A_248 : i32
        %add3A_250 = vector.broadcast %mul3A_249 : i32 to vector<16xi32>
        %add3A_251 = arith.addi %add3A_250, %iota3A : vector<16xi32>
        %eq3A_252 = arith.constant 335 : i32
        %eq3A_253 = vector.broadcast %eq3A_252 : i32 to vector<16xi32>
        %eq3A_254 = arith.cmpi eq, %add3A_251, %eq3A_253 : vector<16xi32>
        %add3A_255 = arith.constant 1 : i32
        %add3A_256 = vector.broadcast %add3A_255 : i32 to vector<16xi32>
        %add3A_257 = arith.addi %add3A_251, %add3A_256 : vector<16xi32>
        %jit3A_258 = arith.constant 0 : i32
        %broadcast_in_dim3A_259 = vector.broadcast %jit3A_258 : i32 to vector<16xi32>
        %select_n3A_260 = arith.select %eq3A_254, %broadcast_in_dim3A_259, %add3A_257 : vector<16xi1>, vector<16xi32>
        %mul3A_261 = arith.constant 16 : i32
        %mul3A_262 = arith.muli %scan3A_245, %mul3A_261 : i32
        %get3A_263 = arith.index_cast %mul3A_262 : i32 to index
        %get3A_264 = tpu.vector_load %arg21[%get3A_263] {strides = array<i32>} : memref<336xf32, #tpu.memory_space<vmem>>, vector<16xf32>,
        %gather3A = tpu.vector_load_idx %arg21[%select_n3A_260] : memref<336xf32, #tpu.memory_space<vmem>>[vector<16xi32>], vector<16xf32>,
        %mul3A_265 = arith.constant 16 : i32
        %mul3A_266 = arith.muli %scan3A_245, %mul3A_265 : i32
        %get3A_267 = arith.index_cast %mul3A_266 : i32 to index
        %get3A_268 = tpu.vector_load %arg22[%get3A_267] {strides = array<i32>} : memref<336xf32, #tpu.memory_space<vmem>>, vector<16xf32>,
        %mul3A_269 = arith.constant 16 : i32
        %mul3A_270 = arith.muli %scan3A_245, %mul3A_269 : i32
        %get3A_271 = arith.index_cast %mul3A_270 : i32 to index
        %get3A_272 = tpu.vector_load %arg23[%get3A_271] {strides = array<i32>} : memref<336xf32, #tpu.memory_space<vmem>>, vector<16xf32>,
        %add3A_273 = arith.addf %get3A_264, %gather3A : vector<16xf32>
        %mul3A_274 = arith.constant 5.000000e-01 : f32
        %mul3A_275 = vector.broadcast %mul3A_274 : f32 to vector<16xf32>
        %mul3A_276 = arith.mulf %add3A_273, %mul3A_275 : vector<16xf32>
        %mul3A_277 = arith.mulf %mul3A_276, %get3A_268 : vector<16xf32>
        %add3A_278 = arith.addf %scan3A_246, %mul3A_277 : vector<16xf32>
        %mul3A_279 = arith.mulf %mul3A_276, %get3A_272 : vector<16xf32>
        %add3A_280 = arith.addf %scan3A_247, %mul3A_279 : vector<16xf32>
        scf.yield %add3A_278, %add3A_280 : vector<16xf32>, vector<16xf32>
      }
      %scan3A_159 = arith.constant 21 : i32
      %reduce_sum3A_160 = arith.constant true
      %reduce_sum3A_161 = vector.broadcast %reduce_sum3A_160 : i1 to vector<16xi1>
      %reduce_sum3A_162 = tpu.scan <sum>, %scan3A_158#0 masked %reduce_sum3A_161 : vector<16xf32>, vector<16xi1> -> vector<16xf32>
      %reduce_sum3A_163 = vector.extract %reduce_sum3A_162[15] : f32 from vector<16xf32>
      %mul3A_164 = arith.constant 5.000000e+01 : f32
      %mul3A_165 = arith.mulf %mul3A_164, %reduce_sum3A_163 : f32
      %reduce_sum3A_166 = arith.constant true
      %reduce_sum3A_167 = vector.broadcast %reduce_sum3A_166 : i1 to vector<16xi1>
      %reduce_sum3A_168 = tpu.scan <sum>, %scan3A_152#0 masked %reduce_sum3A_167 : vector<16xf32>, vector<16xi1> -> vector<16xf32>
      %reduce_sum3A_169 = vector.extract %reduce_sum3A_168[15] : f32 from vector<16xf32>
      %sub3A_170 = arith.subf %mul3A_165, %reduce_sum3A_169 : f32
      %reduce_sum3A_171 = arith.constant true
      %reduce_sum3A_172 = vector.broadcast %reduce_sum3A_171 : i1 to vector<16xi1>
      %reduce_sum3A_173 = tpu.scan <sum>, %scan3A_158#1 masked %reduce_sum3A_172 : vector<16xf32>, vector<16xi1> -> vector<16xf32>
      %reduce_sum3A_174 = vector.extract %reduce_sum3A_173[15] : f32 from vector<16xf32>
      %mul3A_175 = arith.constant 5.000000e+01 : f32
      %mul3A_176 = arith.mulf %mul3A_175, %reduce_sum3A_174 : f32
      %reduce_sum3A_177 = arith.constant true
      %reduce_sum3A_178 = vector.broadcast %reduce_sum3A_177 : i1 to vector<16xi1>
      %reduce_sum3A_179 = tpu.scan <sum>, %scan3A_152#1 masked %reduce_sum3A_178 : vector<16xf32>, vector<16xi1> -> vector<16xf32>
      %reduce_sum3A_180 = vector.extract %reduce_sum3A_179[15] : f32 from vector<16xf32>
      %add3A_181 = arith.addf %mul3A_176, %reduce_sum3A_180 : f32
      %reduce_sum3A_182 = arith.constant true
      %reduce_sum3A_183 = vector.broadcast %reduce_sum3A_182 : i1 to vector<16xi1>
      %reduce_sum3A_184 = tpu.scan <sum>, %scan3A_152#2 masked %reduce_sum3A_183 : vector<16xf32>, vector<16xi1> -> vector<16xf32>
      %reduce_sum3A_185 = vector.extract %reduce_sum3A_184[15] : f32 from vector<16xf32>
      %mul3A_186 = arith.constant 8.92857148E-4 : f32
      %mul3A_187 = arith.mulf %reduce_sum3A_185, %mul3A_186 : f32
      %add3A_188 = arith.constant 3.000000e-01 : f32
      %add3A_189 = arith.addf %mul3A_187, %add3A_188 : f32
      %reduce_sum3A_190 = arith.constant true
      %reduce_sum3A_191 = vector.broadcast %reduce_sum3A_190 : i1 to vector<16xi1>
      %reduce_sum3A_192 = tpu.scan <sum>, %scan3A_152#3 masked %reduce_sum3A_191 : vector<16xf32>, vector<16xi1> -> vector<16xf32>
      %reduce_sum3A_193 = vector.extract %reduce_sum3A_192[15] : f32 from vector<16xf32>
      %mul3A_194 = arith.constant 3.11665935E-4 : f32
      %mul3A_195 = arith.mulf %reduce_sum3A_193, %mul3A_194 : f32
      %mul3A_196 = arith.mulf %mul3A_195, %mul3A_195 : f32
      %mul3A_197 = arith.constant -0.00138888892 : f32
      %mul3A_198 = arith.mulf %mul3A_196, %mul3A_197 : f32
      %add3A_199 = arith.constant 0.0416666679 : f32
      %add3A_200 = arith.addf %add3A_199, %mul3A_198 : f32
      %mul3A_201 = arith.mulf %mul3A_196, %add3A_200 : f32
      %add3A_202 = arith.constant -5.000000e-01 : f32
      %add3A_203 = arith.addf %add3A_202, %mul3A_201 : f32
      %mul3A_204 = arith.mulf %mul3A_196, %add3A_203 : f32
      %add3A_205 = arith.constant 1.000000e+00 : f32
      %add3A_206 = arith.addf %add3A_205, %mul3A_204 : f32
      %mul3A_207 = arith.constant -1.98412701E-4 : f32
      %mul3A_208 = arith.mulf %mul3A_196, %mul3A_207 : f32
      %add3A_209 = arith.constant 0.00833333377 : f32
      %add3A_210 = arith.addf %add3A_209, %mul3A_208 : f32
      %mul3A_211 = arith.mulf %mul3A_196, %add3A_210 : f32
      %add3A_212 = arith.constant -0.166666672 : f32
      %add3A_213 = arith.addf %add3A_212, %mul3A_211 : f32
      %mul3A_214 = arith.mulf %mul3A_196, %add3A_213 : f32
      %add3A_215 = arith.constant 1.000000e+00 : f32
      %add3A_216 = arith.addf %add3A_215, %mul3A_214 : f32
      %mul3A_217 = arith.mulf %mul3A_195, %add3A_216 : f32
      %mul3A_218 = arith.mulf %sub3A_170, %add3A_206 : f32
      %mul3A_219 = arith.mulf %add3A_181, %mul3A_217 : f32
      %add3A_220 = arith.addf %mul3A_218, %mul3A_219 : f32
      %mul3A_221 = arith.mulf %add3A_181, %add3A_206 : f32
      %mul3A_222 = arith.mulf %add3A_220, %mul3A_217 : f32
      %sub3A_223 = arith.subf %mul3A_221, %mul3A_222 : f32
      %mul3A_224 = arith.constant 347.188721 : f32
      %mul3A_225 = arith.mulf %mul3A_224, %add3A_189 : f32
      %mul3A_226 = arith.constant 6.125000e-01 : f32
      %mul3A_227 = arith.mulf %mul3A_226, %mul3A_225 : f32
      %mul3A_228 = arith.mulf %mul3A_227, %mul3A_225 : f32
      %eq3A_229 = arith.constant 0 : i32
      %eq3A_230 = vector.broadcast %eq3A_229 : i32 to vector<16xi32>
      %eq3A_231 = arith.cmpi eq, %iota3A, %eq3A_230 : vector<16xi32>
      %eq3A_232 = arith.constant 1 : i32
      %eq3A_233 = vector.broadcast %eq3A_232 : i32 to vector<16xi32>
      %eq3A_234 = arith.cmpi eq, %iota3A, %eq3A_233 : vector<16xi32>
      %jit3A_235 = arith.constant 0.000000e+00 : f32
      %broadcast_in_dim3A_236 = vector.broadcast %sub3A_223 : f32 to vector<16xf32>
      %broadcast_in_dim3A_237 = vector.broadcast %jit3A_235 : f32 to vector<16xf32>
      %select_n3A_238 = arith.select %eq3A_234, %broadcast_in_dim3A_236, %broadcast_in_dim3A_237 : vector<16xi1>, vector<16xf32>
      %broadcast_in_dim3A_239 = vector.broadcast %add3A_220 : f32 to vector<16xf32>
      %select_n3A_240 = arith.select %eq3A_231, %broadcast_in_dim3A_239, %select_n3A_238 : vector<16xi1>, vector<16xf32>
      %div3A_241 = vector.broadcast %mul3A_228 : f32 to vector<16xf32>
      %div3A_242 = arith.divf %select_n3A_240, %div3A_241 : vector<16xf32>
      %swap3A_243 = arith.constant 0 : index
      %swap3A_244 = tpu.vector_load %arg24[%swap3A_243] {strides = array<i32>} : memref<16xf32, #tpu.memory_space<vmem>>, vector<16xf32>,
      tpu.vector_store %arg24[%swap3A_243], %div3A_242 {strides = array<i32>} : memref<16xf32, #tpu.memory_space<vmem>>, vector<16xf32>,
      "tpu.region"() ({
        %run_scoped3A = tpu.sem_alloc : memref<!tpu.dma_semaphore, #tpu.memory_space<semaphore_mem>>
        %dma_start3A_245 = arith.constant 0 : i32
        %dma_start3A_246 = tpu.memref_slice %arg10[%arg1, %dma_start3A_245] : memref<16x16xf32, #tpu.memory_space<hbm>> -> memref<1x16xf32, #tpu.memory_space<hbm>>
        %dma_start3A_247 = tpu.memref_squeeze %dma_start3A_246 : memref<1x16xf32, #tpu.memory_space<hbm>> -> memref<16xf32, #tpu.memory_space<hbm>>
        %dma_start3A_248 = arith.constant 0 : i32
        %dma_start3A_249 = tpu.memref_slice %arg10[%arg1, %dma_start3A_248] : memref<16x16xf32, #tpu.memory_space<hbm>> -> memref<1x16xf32, #tpu.memory_space<hbm>>
        %dma_start3A_250 = tpu.memref_squeeze %dma_start3A_249 : memref<1x16xf32, #tpu.memory_space<hbm>> -> memref<16xf32, #tpu.memory_space<hbm>>
        tpu.enqueue_dma source(%arg24 : memref<16xf32, #tpu.memory_space<vmem>>) target(%dma_start3A_250 : memref<16xf32, #tpu.memory_space<hbm>>) target_semaphore(%run_scoped3A : memref<!tpu.dma_semaphore, #tpu.memory_space<semaphore_mem>>)
        %dma_wait3A_251 = arith.constant 0 : i32
        %dma_wait3A_252 = tpu.memref_slice %arg10[%arg1, %dma_wait3A_251] : memref<16x16xf32, #tpu.memory_space<hbm>> -> memref<1x16xf32, #tpu.memory_space<hbm>>
        %dma_wait3A_253 = tpu.memref_squeeze %dma_wait3A_252 : memref<1x16xf32, #tpu.memory_space<hbm>> -> memref<16xf32, #tpu.memory_space<hbm>>
        %dma_wait3A_254 = arith.constant 0 : i32
        %dma_wait3A_255 = tpu.memref_slice %arg10[%arg1, %dma_wait3A_254] : memref<16x16xf32, #tpu.memory_space<hbm>> -> memref<1x16xf32, #tpu.memory_space<hbm>>
        %dma_wait3A_256 = tpu.memref_squeeze %dma_wait3A_255 : memref<1x16xf32, #tpu.memory_space<hbm>> -> memref<16xf32, #tpu.memory_space<hbm>>
        tpu.wait_dma2 semaphore(%run_scoped3A : memref<!tpu.dma_semaphore, #tpu.memory_space<semaphore_mem>>) src(%arg24 : memref<16xf32, #tpu.memory_space<vmem>>) dst(%dma_wait3A_256 : memref<16xf32, #tpu.memory_space<hbm>>)
        tpu.yield
      }) : () -> ()
    } else {
    }
    return
  }
}

</mosaic_0001>

<sc_bundles>
// kernel: kernel.3.cloned.1.call-start
scs
__scs_entry_jumppad:
0x0: {  	(pc) =	sbr.rel $0x88, $3  }
0x1: {  	(tag) =	ssettag $0x0;
	lr =	simm.s32 $0x1  }
0x2: {  	[smem:$0x3F9D] =	sst lr;
	_ =	strace $0xD0000000  }
0x3: {  	_ = 	snop  }
0x4: {  	_ = 	snop  }
0x5: {  	_ = 	snop  }
0x6: {  	_ = 	snop  }
0x7: {  	_ = 	snop  }
__scs_overlays_trampoline_lowered:
0x8: {  	[smem:$0x3FAC] =	sst s0  }
0x9: {  	[smem:$0x3FAD] =	sst s1  }
0xa: {  	[smem:$0x3FAE] =	sst s2  }
0xb: {  	[smem:$0x3FAF] =	sst s3  }
0xc: {  	[smem:$0x3FB0] =	sst s4  }
0xd: {  	[smem:$0x3FB1] =	sst s5  }
0xe: {  	[smem:$0x3FB2] =	sst s6  }
0xf: {  	[smem:$0x3FB3] =	sst s7  }
0x10: {  	[smem:$0x3FB4] =	sst s8  }
0x11: {  	[smem:$0x3FB5] =	sst s9;
	s0 =	simm.s32 @!p0 $0x0  }
0x12: {  	s1 =	sld [smem:$0x3F9B];
	s0 =	simm.s32 @p0 $0x1  }
0x13: {  	[smem:$0x3FB6] =	sst s0;
	s0 =	simm.s32 @!p1 $0x0  }
0x14: {  	s2 =	sld [smem:$0x3F9A];
	s0 =	simm.s32 @p1 $0x1  }
0x15: {  	[smem:$0x3FB7] =	sst s0;
	s0 =	simm.s32 @!p2 $0x0  }
0x16: {  	s3 =	sld [smem:$0x3FDB];
	s0 =	simm.s32 @p2 $0x1  }
0x17: {  	s4 =	simm.s32 $0x1BF5;
	[smem:$0x3FB9] =	sst s0  }
0x18: {  	s0 =	sld [smem:$0x3F9C];
	_ =	swait.ge [sflag:s4], $0x0  }
0x19: {  	s7 =	sld [smem:$0x3F9D]  }
0x1a: {  	s8 =	sadd.s32 $0xFFFFE003, lr  }
0x1b: {  	s9 =	sadd.s32 $0xFFFFFEF7, lr;
	s5 =	simm.s32 $0xFFFFFFFF;
	p2 =	slt.u32 s8, $0xFFFFF086  }
0x1c: {  	p1 =	slt.u32 s9, $0xF7A;
	s5 =	simm.s32 @!p2 $0x0  }
0x1d: {  	s5 =	simm.s32 @p1 $0x1;
	p0 =	seq.s32 s7, s2  }
0x1e: {  	s7 =	smul.u32 @!p0 $0xF7A, s2;
	p2 =	seq.s32 @!p0 s5, $0x0  }
0x1f: {  	s9 =	smul.u32 $0xF7A, s1;
	s8 =	simm.s32 @!p0 $0x1BF5;
	p2 =	por !p2, p0  }
0x20: {  	[sflag:s8] =	ssyncset.s32 @!p0 $0xFFFFF086;
	s6 =	sadd.s32 @!p0 s3, s7;
	s7 =	simm.s32 @!p0 $0x108  }
0x21: {  	s3 =	sadd.s32 s3, s9;
	s6 =	sadd.s32 @!p0 $0x88, s6;
	s7 =	simm.s32 @p2 $0x1082  }
0x22: {  	[simem:s7], [sflag:s8] =	dma.local @!p0 [hbm:s6], $0xF7A  }
0x23: {  	s9 =	sor.u32 $0xD0000000, s2;
	s6 =	simm.s32 $0x108;
	_ =	swait.ge @!p0 [sflag:s8], $0x0  }
0x24: {  	s3 =	sadd.s32 $0x88, s3;
	s6 =	simm.s32 @!p1 $0x1082;
	[sflag:s4] =	ssyncset.s32 $0xFFFFF086  }
0x25: {  	[simem:s6], [sflag:s4] =	dma.local [hbm:s3], $0xF7A  }
0x26: {  	[smem:$0x3F9D] =	sst s1;
	(tag) =	ssettag s2;
	_ =	strace s9  }
0x27: {  	s1 =	sld [smem:$0x3FAD]  }
0x28: {  	s2 =	sld [smem:$0x3FAE]  }
0x29: {  	s4 =	sld [smem:$0x3FB0]  }
0x2a: {  	p0 =	seq.s32 s5, $0x0;
	s5 =	sld [smem:$0x3FB1]  }
0x2b: {  	s6 =	sld [smem:$0x3FB2]  }
0x2c: {  	s7 =	sld [smem:$0x3FB3]  }
0x2d: {  	s3 =	simm.s32 $0x108;
	s8 =	sld [smem:$0x3FB4]  }
0x2e: {  	s3 =	simm.s32 @!p0 $0x1082;
	s9 =	sld [smem:$0x3FB5]  }
0x2f: {  	lr =	sadd.s32 s0, s3;
	s0 =	sld [smem:$0x3FAC]  }
0x30: {  	s3 =	sld [smem:$0x3FAF]  }
0x31: {  	[smem:$0x3FB8] =	sst s10  }
0x32: {  	s10 =	sld [smem:$0x3FB6];
	_ =	sdelay $0x3  }
0x33: {  	p0 =	seq.s32 s10, $0x1;
	s10 =	sld [smem:$0x3FB8];
	_ =	sdelay $0x3  }
0x34: {  	[smem:$0x3FB8] =	sst s10  }
0x35: {  	s10 =	sld [smem:$0x3FB7];
	_ =	sdelay $0x3  }
0x36: {  	p1 =	seq.s32 s10, $0x1;
	s10 =	sld [smem:$0x3FB8];
	_ =	sdelay $0x3  }
0x37: {  	[smem:$0x3FB8] =	sst s10  }
0x38: {  	s10 =	sld [smem:$0x3FB9]  }
0x39: {  	_ = 	snop;
	(pc) =	sbr.ind lr, $3  }
0x3a: {  	_ = 	snop  }
0x3b: {  	_ = 	snop  }
0x3c: {  	p2 =	seq.s32 s10, $0x1;
	s10 =	sld [smem:$0x3FB8]  }
0x3d: {  	_ =	shalt  }
0x3e: {  	_ =	shalt  }
0x3f: {  	_ =	shalt  }
0x40: {  	_ =	shalt  }
0x41: {  	_ =	shalt  }
0x42: {  	_ =	shalt  }
0x43: {  	_ =	shalt  }
0x44: {  	_ =	shalt  }
0x45: {  	_ =	shalt  }
0x46: {  	_ =	shalt  }
0x47: {  	_ =	shalt  }
0x48: {  	_ =	shalt  }
0x49: {  	_ =	shalt  }
0x4a: {  	_ =	shalt  }
0x4b: {  	_ =	shalt  }
0x4c: {  	_ =	shalt  }
0x4d: {  	_ =	shalt  }
0x4e: {  	_ =	shalt  }
0x4f: {  	_ =	shalt  }
0x50: {  	_ =	shalt  }
0x51: {  	_ =	shalt  }
0x52: {  	_ =	shalt  }
0x53: {  	_ =	shalt  }
0x54: {  	_ =	shalt  }
0x55: {  	_ =	shalt  }
0x56: {  	_ =	shalt  }
0x57: {  	_ =	shalt  }
0x58: {  	_ =	shalt  }
0x59: {  	_ =	shalt  }
0x5a: {  	_ =	shalt  }
0x5b: {  	_ =	shalt  }
0x5c: {  	_ =	shalt  }
0x5d: {  	_ =	shalt  }
0x5e: {  	_ =	shalt  }
0x5f: {  	_ =	shalt  }
0x60: {  	_ =	shalt  }
0x61: {  	_ =	shalt  }
0x62: {  	_ =	shalt  }
0x63: {  	_ =	shalt  }
0x64: {  	_ =	shalt  }
0x65: {  	_ =	shalt  }
0x66: {  	_ =	shalt  }
0x67: {  	_ =	shalt  }
0x68: {  	_ =	shalt  }
0x69: {  	_ =	shalt  }
0x6a: {  	_ =	shalt  }
0x6b: {  	_ =	shalt  }
0x6c: {  	_ =	shalt  }
0x6d: {  	_ =	shalt  }
0x6e: {  	_ =	shalt  }
0x6f: {  	_ =	shalt  }
0x70: {  	_ =	shalt  }
0x71: {  	_ =	shalt  }
0x72: {  	_ =	shalt  }
0x73: {  	_ =	shalt  }
0x74: {  	_ =	shalt  }
0x75: {  	_ =	shalt  }
0x76: {  	_ =	shalt  }
0x77: {  	_ =	shalt  }
0x78: {  	_ =	shalt  }
0x79: {  	_ =	shalt  }
0x7a: {  	_ =	shalt  }
0x7b: {  	_ =	shalt  }
0x7c: {  	_ =	shalt  }
0x7d: {  	_ =	shalt  }
0x7e: {  	_ =	shalt  }
0x7f: {  	_ =	shalt  }
0x80: {  	_ =	shalt  }
0x81: {  	_ =	shalt  }
0x82: {  	_ =	shalt  }
0x83: {  	_ =	shalt  }
0x84: {  	_ =	shalt  }
0x85: {  	_ =	shalt  }
0x86: {  	_ =	shalt  }
0x87: {  	_ =	shalt  }
.Lfunc_end0:
.L_simem_size_0:
called_computation_lowered:
.L_overlay_start_0:
0x88: {  	s0 =	sld [smem:$0x3FD9]  }
0x89: {  	s1 =	sld [smem:$0x3FFE];
	_ =	sdelay $0x3  }
0x8a: {  	s0 =	sadd.s32 s1, s0  }
0x8b: {  	[smem:$0x3FC4] =	sst s0  }
0x8c: {  	_ = 	snop  }
0x8d: {  	s0 =	sld [smem:$0x3FC9]  }
0x8e: {  	s16 =	sld [smem:$0x3FD0];
	(tm) =	ssettm $0x1  }
0x8f: {  	s2 =	sld [smem:$0x3FFB];
	_ =	sdelay $0x3  }
0x90: {  	_ =	strace s2  }
0x91: {  	s2 =	sld [smem:$0x3FFC];
	_ =	sdelay $0x3  }
0x92: {  	_ =	strace s2  }
0x93: {  	s2 =	sld [smem:$0x3FFD];
	_ =	sdelay $0x3  }
0x94: {  	_ =	strace s2  }
0x95: {  	_ =	strace $0x8FFFFFFF  }
0x96: {  	s17 =	sld [smem:$0x3FDB];
	_ =	sdelay $0x1  }
0x97: {  	s3 =	simm.s32 $_scs_section_size  }
0x98: {  	s4 =	simm.s32 $_size__tile_overlayer_lowered;
	s5 =	simm.s32 $_tile_overlayer_lowered  }
0x99: {  	s20 =	simm.s32 $0x1BFF;
	s19 =	sshll.u32 s5, $0x1;
	s2 =	sadd.s32 s3, s17  }
0x9a: {  	s6 =	simm.s32 $0x0;
	s18 =	sshll.u32 s4, $0x1;
	s4 =	sadd.s32 s19, s2  }
0x9b: {  	[timem:s6], [sflag:s20] =	dma.local [hbm:s4], s18  }
0x9c: {  	_ =	swait.ge [sflag:s20], s18  }
0x9d: {  	s3 =	ssub.s32 $0x0, s18;
	[sflag:s20] =	ssyncset.done $0x0  }
0x9e: {  	[sflag:s20] =	ssyncadd.s32 s3;
	_ =	sdelay $0x1  }
0x9f: {  	s21 =	simm.s32 $0x1B8B  }
0xa0: {  	_ =	swait.ge [sflag:s21], $0x1  }
0xa1: {  	[sflag:s21] =	ssyncset.done $0x0  }
0xa2: {  	s23 =	simm.s32 $0x1B8E;
	s22 =	sld [smem:$0x3FFE];
	[sflag:s21] =	ssyncadd.s32 $0xFFFFFFFF  }
0xa3: {  	s24 =	simm.s32 $execute0_lowered;
	[smem:$0x3FD2] =	sst s23  }
0xa4: {  	s4 =	sshll.u32 s24, $0x1;
	_ =	strace $0x80000046;
	[dreg:$0x1] =	wrdreg $0xFFFFFFFF  }
0xa5: {  	s25 =	simm.s32 $_size_execute0_lowered;
	s2 =	sadd.s32 s2, s4;
	[dreg:$0x0] =	wrdreg $0x0  }
0xa6: {  	s4 =	sshll.u32 s25, $0x1;
	[dreg:$0x2] =	wrdreg s2  }
0xa7: {  	[dreg:$0x3] =	wrdreg s4  }
0xa8: {  	[dreg:$0x4] =	wrdreg $0xC0  }
0xa9: {  	_ =	task [dreg:s6], $0x5FFFF  }
0xaa: {  	[dreg:$0x1] =	wrdreg $0xFFFFFFFF  }
0xab: {  	[dreg:$0x0] =	wrdreg $0x60  }
0xac: {  	[dreg:$0x2] =	wrdreg s0  }
0xad: {  	[dreg:$0x3] =	wrdreg s22  }
0xae: {  	[dreg:$0x4] =	wrdreg s16  }
0xaf: {  	[dreg:$0x5] =	wrdreg $0x1FA80  }
0xb0: {  	[dreg:$0x6] =	wrdreg $0x9  }
0xb1: {  	_ =	task.clear_ibuf [dreg:s6], $0x7FFFF;
	_ =	strace $0x90000046  }
0xb2: {  	s26 =	simm.s32 $0x9;
	_ =	strace $0x80000048  }
0xb3: {  	_ =	swait.ge [sflag:s26], $0x1  }
0xb4: {  	[sflag:s26] =	ssyncadd.s32 $0xFFFFFFFF  }
0xb5: {  	_ =	strace $0x90000048  }
0xb6: {  	_ =	sfence  }
0xb7: {  	s28 =	sld [smem:$0x0];
	_ =	sdelay $0x1  }
0xb8: {  	s29 =	srdreg.scid  }
0xb9: {  	s30 =	sshll.u32 s29, $0xD;
	s31 =	sshrl.u32 s29, $0x2  }
0xba: {  	s1 =	sand.u32 $0x1, s29;
	s2 =	sand.u32 $0x4000, s30;
	s0 =	sadd.s32 s31, s28  }
0xbb: {  	s1 =	sor.u32 s2, s1;
	s0 =	sshll.u32 s0, $0x11  }
0xbc: {  	s0 =	sor.u32 s0, s1  }
0xbd: {  	s0 =	sadd.s32 $0x8F2B, s0  }
0xbe: {  	[sflag:s0] =	ssyncadd.remote.s32 $0x1  }
0xbf: {  	_ =	sfence.sel $0xFFFF  }
0xc0: {  	[dreg:$0x0] =	wrdreg $0xFFFFFFFF;
	(pc) =	sbr.abs _section_cstart, $3  }
0xc1: {  	[dreg:$0x1] =	wrdreg $0xFFFFFFFF  }
0xc2: {  	_ =	task.clear_ibuf [dreg:s6], $0x2FFFF;
	_ =	strace $0x9FFFFFFF  }
0xc3: {  	(tm) =	ssettm $0x7FFFFFFF  }
tec
execute0_lowered:
.L_overlay_start_1:
0x0: {  	(tag) =	ssettag $0x1  }
0x1: {  	s6 =	rddreg [dreg:$0x0]  }
0x2: {  	s4 =	rddreg [dreg:$0x1]  }
0x3: {  	s2 =	rddreg [dreg:$0x2]  }
0x4: {  	s5 =	rddreg [dreg:$0x3]  }
0x5: {  	s0 =	rddreg [dreg:$0x4];
	s3 =	simm.s32 $0x0;
	s1 =	stileid.u32  }
0x6: {  	[smem:$0x7FF] =	sst s3;
	s7 =	sshll.u32 s1, $0x8  }
0x7: {  	v1 =	vimm.s32 $0x400;
	s19 =	simm.s32 $0x2;
	_ =	strace $0x80000047;
	s6 =	sadd.s32 s6, s7  }
0x8: {  	[tilespmem:s3], [sflag:$0x2] =	stream.linear.gather [hbm4b:s6+s3], $0x800, $0x38;
	[tilespmem:$0x1FB8] =	vst v63  }
0x9: {  	_ =	swait.ge [sflag:s19], $0x800  }
0xa: {  	[sflag:s19] =	ssyncset.done $0x0  }
0xb: {  	[sflag:s19] =	ssyncadd.s32 $0xFFFFF800  }
0xc: {  	v2 =	vld.idx.msk [tilespmem:v1+s3+$0x0], $0xffff;
	_ =	sdelay $0x3  }
0xd: {  	v0 =	vlaneseq.u32  }
0xe: {  	vm0 =	vlt.s32 v2, v0;
	v2 =	vimm.s32 $0x200  }
0xf: {  	v2 =	vsel vm0, $0x600, v2;
	_ =	sdelay $0x4  }
0x10: {  	v3 =	vld.idx.msk [tilespmem:v2+s3+$0x0], $0xffff;
	_ =	sdelay $0x4  }
0x11: {  	v4 =	vimm.s32 $0x0;
	v1 =	vsel vm0, $0x800, v1;
	vm1 =	vlt.s32 v3, v0  }
0x12: {  	v3 =	vsel vm0, $0x401, v4;
	v4 =	vor.u32 $0x1, v2;
	v1 =	vsel vm1, v1, v2  }
0x13: {  	v2 =	vsel vm1, v4, v3;
	v3 =	vadd.s32 $0xFFFFFFFF, v1  }
0x14: {  	v4 =	vxor.u32 v3, v2  }
0x15: {  	v3 =	vor.u32 v3, v2;
	v4 =	vshrl.u32 v4, $0x1  }
0x16: {  	v3 =	vsub.s32 v3, v4;
	_ =	sdelay $0x4  }
0x17: {  	v4 =	vld.idx.msk [tilespmem:v3+s3+$0x0], $0xffff;
	_ =	sdelay $0x4  }
0x18: {  	vm0 =	vlt.s32 v4, v0;
	v4 =	vor.u32 $0x1, v3  }
0x19: {  	v2 =	vsel vm0, v4, v2;
	v1 =	vsel vm0, v1, v3  }
0x1a: {  	v3 =	vxor.u32 v2, v1  }
0x1b: {  	v4 =	vand.u32 v2, v1;
	v3 =	vshrl.u32 v3, $0x1  }
0x1c: {  	v3 =	vadd.s32 v3, v4;
	_ =	sdelay $0x4  }
0x1d: {  	v4 =	vld.idx.msk [tilespmem:v3+s3+$0x0], $0xffff;
	_ =	sdelay $0x4  }
0x1e: {  	vm0 =	vlt.s32 v4, v0;
	v4 =	vadd.s32 $0x1, v3  }
0x1f: {  	v2 =	vsel vm0, v4, v2;
	v1 =	vsel vm0, v1, v3  }
0x20: {  	v3 =	vadd.s32 v2, v1  }
0x21: {  	v3 =	vshrl.u32 v3, $0x1;
	_ =	sdelay $0x4  }
0x22: {  	v4 =	vld.idx.msk [tilespmem:v3+s3+$0x0], $0xffff;
	_ =	sdelay $0x4  }
0x23: {  	vm0 =	vlt.s32 v4, v0;
	v4 =	vadd.s32 $0x1, v3  }
0x24: {  	v2 =	vsel vm0, v4, v2;
	v1 =	vsel vm0, v1, v3  }
0x25: {  	v3 =	vadd.s32 v2, v1  }
0x26: {  	v3 =	vshrl.u32 v3, $0x1;
	_ =	sdelay $0x4  }
0x27: {  	v4 =	vld.idx.msk [tilespmem:v3+s3+$0x0], $0xffff;
	_ =	sdelay $0x4  }
0x28: {  	vm0 =	vlt.s32 v4, v0;
	v4 =	vadd.s32 $0x1, v3  }
0x29: {  	v2 =	vsel vm0, v4, v2;
	v1 =	vsel vm0, v1, v3  }
0x2a: {  	v3 =	vadd.s32 v2, v1  }
0x2b: {  	v3 =	vshrl.u32 v3, $0x1;
	_ =	sdelay $0x4  }
0x2c: {  	v4 =	vld.idx.msk [tilespmem:v3+s3+$0x0], $0xffff;
	_ =	sdelay $0x4  }
0x2d: {  	vm0 =	vlt.s32 v4, v0;
	v4 =	vadd.s32 $0x1, v3  }
0x2e: {  	v2 =	vsel vm0, v4, v2;
	v1 =	vsel vm0, v1, v3  }
0x2f: {  	v3 =	vadd.s32 v2, v1  }
0x30: {  	v3 =	vshrl.u32 v3, $0x1;
	_ =	sdelay $0x4  }
0x31: {  	v4 =	vld.idx.msk [tilespmem:v3+s3+$0x0], $0xffff;
	_ =	sdelay $0x4  }
0x32: {  	vm0 =	vlt.s32 v4, v0;
	v4 =	vadd.s32 $0x1, v3  }
0x33: {  	v2 =	vsel vm0, v4, v2;
	v1 =	vsel vm0, v1, v3  }
0x34: {  	v3 =	vadd.s32 v2, v1  }
0x35: {  	v3 =	vshrl.u32 v3, $0x1;
	_ =	sdelay $0x4  }
0x36: {  	v4 =	vld.idx.msk [tilespmem:v3+s3+$0x0], $0xffff;
	_ =	sdelay $0x4  }
0x37: {  	vm0 =	vlt.s32 v4, v0;
	v4 =	vadd.s32 $0x1, v3  }
0x38: {  	v2 =	vsel vm0, v4, v2;
	v1 =	vsel vm0, v1, v3  }
0x39: {  	v3 =	vadd.s32 v2, v1  }
0x3a: {  	v3 =	vshrl.u32 v3, $0x1;
	_ =	sdelay $0x4  }
0x3b: {  	v4 =	vld.idx.msk [tilespmem:v3+s3+$0x0], $0xffff;
	_ =	sdelay $0x4  }
0x3c: {  	vm0 =	vlt.s32 v4, v0;
	v4 =	vadd.s32 $0x1, v3  }
0x3d: {  	v2 =	vsel vm0, v4, v2;
	v1 =	vsel vm0, v1, v3  }
0x3e: {  	v1 =	vadd.s32 v2, v1  }
0x3f: {  	v1 =	vshrl.u32 v1, $0x1;
	_ =	sdelay $0x4  }
0x40: {  	v3 =	vld.idx.msk [tilespmem:v1+s3+$0x0], $0xffff;
	_ =	sdelay $0x4  }
0x41: {  	v1 =	vadd.s32 $0x1, v1;
	vm0 =	vlt.s32 v3, v0  }
0x42: {  	s20 =	sshll.u32 s1, $0x4;
	v1 =	vsel vm0, v1, v2  }
0x43: {  	s8 =	simm.s32 $0x800;
	s7 =	sadd.s32 s20, s5;
	[tilespmem:$0x800] =	vst v1  }
0x44: {  	[spmem:s7] =	stream.linear.scatter [tilespmem:s8], [sflag:$0x2], $0x10, $0x38;
	[tilespmem:$0x1FB8] =	vst v63  }
0x45: {  	_ =	swait.ge [sflag:s19], $0x10  }
0x46: {  	[sflag:s19] =	ssyncset.done $0x0  }
0x47: {  	[sflag:s19] =	ssyncadd.s32 $0xFFFFFFF0  }
0x48: {  	s21 =	simm.s32 $0x810;
	[bflag:$0x0] =	sbarrier.arrive $0xFFFF  }
0x49: {  	[tilespmem:s21], [sflag:$0x2] =	stream.linear.gather [spmem:s5], $0x100, $0x38;
	[tilespmem:$0x1FB8] =	vst v63  }
0x4a: {  	_ =	swait.ge [sflag:s19], $0x100  }
0x4b: {  	[sflag:s19] =	ssyncset.done $0x0  }
0x4c: {  	[sflag:s19] =	ssyncadd.s32 $0xFFFFFF00  }
0x4d: {  	v1 =	vld [tilespmem:$0x810]  }
0x4e: {  	v2 =	vld [tilespmem:$0x820]  }
0x4f: {  	v3 =	vld [tilespmem:$0x830]  }
0x50: {  	v4 =	vld [tilespmem:$0x840]  }
0x51: {  	v5 =	vld [tilespmem:$0x850]  }
0x52: {  	v6 =	vld [tilespmem:$0x860]  }
0x53: {  	v1 =	vadd.s32 v1, v2;
	v2 =	vld [tilespmem:$0x870]  }
0x54: {  	v1 =	vadd.s32 v3, v1;
	v3 =	vld [tilespmem:$0x880]  }
0x55: {  	v1 =	vadd.s32 v4, v1;
	v4 =	vld [tilespmem:$0x890]  }
0x56: {  	v1 =	vadd.s32 v5, v1;
	v5 =	vld [tilespmem:$0x8A0]  }
0x57: {  	v1 =	vadd.s32 v6, v1;
	v6 =	vld [tilespmem:$0x8B0]  }
0x58: {  	v1 =	vadd.s32 v2, v1;
	v2 =	vld [tilespmem:$0x8C0]  }
0x59: {  	v1 =	vadd.s32 v3, v1;
	v3 =	vld [tilespmem:$0x8D0]  }
0x5a: {  	v1 =	vadd.s32 v4, v1;
	v4 =	vld [tilespmem:$0x8E0]  }
0x5b: {  	v1 =	vadd.s32 v5, v1;
	v5 =	vld [tilespmem:$0x8F0]  }
0x5c: {  	v1 =	vadd.s32 v6, v1;
	v6 =	vld [tilespmem:$0x900]  }
0x5d: {  	v1 =	vadd.s32 v2, v1  }
0x5e: {  	v1 =	vadd.s32 v3, v1  }
0x5f: {  	v1 =	vadd.s32 v4, v1  }
0x60: {  	v2 =	vmov s1;
	v1 =	vadd.s32 v5, v1  }
0x61: {  	vm0 =	veq.s32 v2, v0;
	v1 =	vadd.s32 v6, v1  }
0x62: {  	v1 =	vnsel vm0, $0x0, v1  }
0x63: {  	(xrf0) =	vadd.scan.msk.s32 $0xffff, v1;
	_ =	sdelay $0x5  }
0x64: {  	v1, _, _ =	vpop (xrf0)  }
0x65: {  	(v2sf) =	vpush v1, $0xF;
	_ =	sdelay $0xe  }
0x66: {  	s10 =	spop (v2sf)  }
0x67: {  	p0 =	slt.s32 s10, $0x7D58;
	s5 =	smov.u32 s10  }
0x68: {  	s5 =	simm.s32 @!p0 $0x7D58  }
0x69: {  	s22 =	sand.u32 $0x7, s5  }
0x6a: {  	p6 =	slt.s32 s10, $0x1;
	s23 =	sshra.s32 s5, $0x1F;
	p1 =	sne.s32 s22, $0x0  }
0x6b: {  	s24 =	sshrl.u32 s23, $0x1D;
	p0 =	por !p6, !p1  }
0x6c: {  	s6 =	simm.s32 $0x1;
	s5 =	sadd.s32 s24, s5;
	p0 =	por !p0, !p0  }
0x6d: {  	s5 =	sshra.s32 s5, $0x3;
	s6 =	simm.s32 @!p0 $0x0  }
0x6e: {  	s11 =	ssub.s32 s5, s6  }
0x6f: {  	s5 =	sand.u32 $0x1FFFFFFF, s11  }
0x70: {  	s25 =	sadd.s32 s5, s4  }
0x71: {  	s9 =	simm.s32 $0x910;
	s4 =	sadd.s32 $0x1E00, s25  }
0x72: {  	[tilespmem:s9], [sflag:$0x1] =	stream.linear.gather [hbm4b:s4+s3], $0x2A8, $0x38;
	[tilespmem:$0x1FB8] =	vst v63  }
0x73: {  	s12 =	simm.s32 $0xBB8;
	s26 =	sadd.s32 $0xE00, s25  }
0x74: {  	[tilespmem:s12], [sflag:$0x1] =	stream.linear.gather [hbm4b:s26+s3], $0x2A8, $0x38;
	[tilespmem:$0x1FB8] =	vst v63  }
0x75: {  	s7 =	simm.s32 $0xE60;
	s28 =	sadd.s32 $0x5E00, s25  }
0x76: {  	[tilespmem:s7], [sflag:$0x1] =	stream.linear.gather [hbm4b:s28+s3], $0x2A8, $0x38;
	[tilespmem:$0x1FB8] =	vst v63  }
0x77: {  	s8 =	simm.s32 $0x1108;
	s29 =	sadd.s32 $0x4E00, s25  }
0x78: {  	[tilespmem:s8], [sflag:$0x1] =	stream.linear.gather [hbm4b:s29+s3], $0x2A8, $0x38;
	[tilespmem:$0x1FB8] =	vst v63  }
0x79: {  	s5 =	simm.s32 $0x13B0;
	s30 =	sadd.s32 $0x6E00, s25  }
0x7a: {  	[tilespmem:s5], [sflag:$0x1] =	stream.linear.gather [hbm4b:s30+s3], $0x2A8, $0x38;
	[tilespmem:$0x1FB8] =	vst v63  }
0x7b: {  	s13 =	sadd.s32 $0x3E00, s25;
	s4 =	simm.s32 $0x1658  }
0x7c: {  	[tilespmem:s4], [sflag:$0x1] =	stream.linear.gather [hbm4b:s13+s3], $0x2A8, $0x38;
	[tilespmem:$0x1FB8] =	vst v63  }
0x7d: {  	s31 =	simm.s32 $0x1;
	s6 =	simm.s32 $0x1900;
	s14 =	sadd.s32 $0x2E00, s25  }
0x7e: {  	[tilespmem:s6], [sflag:$0x1] =	stream.linear.gather [hbm4b:s14+s3], $0x2A8, $0x38;
	[tilespmem:$0x1FB8] =	vst v63  }
0x7f: {  	_ =	swait.ge [sflag:s31], $0x2A8  }
0x80: {  	[sflag:s31] =	ssyncset.done $0x0  }
0x81: {  	[sflag:s31] =	ssyncadd.s32 $0xFFFFFD58  }
0x82: {  	_ =	swait.ge [sflag:s31], $0x2A8  }
0x83: {  	[sflag:s31] =	ssyncset.done $0x0  }
0x84: {  	[sflag:s31] =	ssyncadd.s32 $0xFFFFFD58  }
0x85: {  	_ =	swait.ge [sflag:s31], $0x2A8  }
0x86: {  	[sflag:s31] =	ssyncset.done $0x0  }
0x87: {  	[sflag:s31] =	ssyncadd.s32 $0xFFFFFD58  }
0x88: {  	_ =	swait.ge [sflag:s31], $0x2A8  }
0x89: {  	[sflag:s31] =	ssyncset.done $0x0  }
0x8a: {  	[sflag:s31] =	ssyncadd.s32 $0xFFFFFD58  }
0x8b: {  	p0 =	slt.s32 s10, $0x7D60;
	_ =	swait.ge [sflag:s31], $0x2A8  }
0x8c: {  	s10 =	simm.s32 @!p0 $0x7D60;
	s11 =	sshll.u32 s11, $0x3;
	[sflag:s31] =	ssyncset.done $0x0  }
0x8d: {  	s10 =	ssub.s32 s10, s11;
	[sflag:s31] =	ssyncadd.s32 $0xFFFFFD58  }
0x8e: {  	v2 =	vor.u32 s3, v0;
	v1 =	vmul.u32 $0xFFFFFFFF, v0;
	v6 =	vmov s10;
	_ =	swait.ge [sflag:s31], $0x2A8  }
0x8f: {  	v10 =	vadd.s32 $0x1, v0;
	s10 =	sadd.s32 $0x150, s10;
	v8 =	vadd.s32 v6, v2;
	[sflag:s31] =	ssyncset.done $0x0  }
0x90: {  	v9 =	vadd.s32 $0x14F, v1;
	v1 =	vmov s3;
	v7 =	vmov s10;
	[sflag:s31] =	ssyncadd.s32 $0xFFFFFD58  }
0x91: {  	vm0 =	veq.s32 v1, v9;
	v1 =	vadd.s32 s3, v10;
	v11 =	vadd.s32 v7, v2;
	_ =	swait.ge [sflag:s31], $0x2A8  }
0x92: {  	v1 =	vsel vm0, $0x0, v1;
	[sflag:s31] =	ssyncset.done $0x0  }
0x93: {  	v3 =	vadd.s32 v6, v1;
	[sflag:s31] =	ssyncadd.s32 $0xFFFFFD58  }
0x94: {  	v12 =	vld.idx.msk [tilespmem:v8+s9+$0x0], $0xffff  }
0x95: {  	v13 =	vld.idx.msk [tilespmem:v8+s12+$0x0], $0xffff  }
0x96: {  	s15 =	simm.s32 $0x1E58;
	s17 =	simm.s32 $0x1BA8;
	s16 =	simm.s32 $0x1CF8;
	v15 =	vld.idx.msk [tilespmem:v11+s9+$0x0], $0xffff  }
0x97: {  	s18 =	simm.s32 $0x1E48;
	s20 =	simm.s32 $0x1CF8;
	v4 =	vimm.f32 $0.0e+00;
	v5 =	vimm.f32 $0.0e+00;
	s13 =	simm.s32 $0x10;
	v16 =	vld.idx.msk [tilespmem:v11+s12+$0x0], $0xffff  }
0x98: {  	s21 =	simm.s32 $0x10;
	s19 =	simm.s32 $0x1BA8;
	s24 =	simm.s32 $0x20;
	v1 =	vimm.f32 $0.0e+00;
	v2 =	vmov s13;
	v14 =	vadd.s32 s13, v10;
	v17 =	vld.idx.msk [tilespmem:v3+s9+$0x0], $0xffff  }
0x99: {  	s11 =	simm.s32 $0x1CF8;
	s10 =	simm.s32 $0x1E48;
	s14 =	simm.s32 $0x1BA8;
	vm0 =	veq.s32 v2, v9;
	v2 =	vimm.f32 $0.0e+00;
	v18 =	vld.idx.msk [tilespmem:v3+s12+$0x0], $0xffff;
	v3 =	vimm.f32 $0.0e+00  }
.LBB2_1:
0x9a: {  	s17 =	sadd.s32 $0x10, s17  }
0x9b: {  	v14 =	vsel vm0, $0x0, v14;
	s16 =	sadd.s32 $0x10, s16;
	s23 =	smov.u32 s24;
	s22 =	sadd.s32 $0x10, s24  }
0x9c: {  	p0 =	sne.s32 s24, $0x140;
	v19 =	vadd.s32 v6, v14;
	v14 =	vld.idx.msk [tilespmem:v8+s5+$0x0], $0xffff  }
0x9d: {  	v15 =	vsub.f32 v15, v12  }
0x9e: {  	v16 =	vsub.f32 v16, v13  }
0x9f: {  	v12 =	vsub.f32 v17, v12  }
0xa0: {  	v13 =	vsub.f32 v18, v13;
	v16 =	vmul.f32 v16, v16  }
0xa1: {  	v15 =	vmul.f32 v15, v15;
	v17 =	vmul.f32 v12, v12  }
0xa2: {  	v18 =	vmul.f32 v13, v13;
	v20 =	vmul.f32 v14, v13  }
0xa3: {  	v15 =	vadd.f32 v16, v15;
	v14 =	vmul.f32 v14, v12  }
0xa4: {  	v16 =	vadd.f32 v18, v17;
	v2 =	vadd.f32 v20, v2  }
0xa5: {  	v5 =	vadd.f32 v14, v5  }
0xa6: {  	v14 =	vmul.f32 v15, v16;
	_ =	sdelay $0x1  }
0xa7: {  	v15 =	vshra.s32 v14, $0x1;
	v14 =	vmul.f32 $5.000000000e-01, v14  }
0xa8: {  	v15 =	vsub.s32 $0x5F3759DF, v15  }
0xa9: {  	v16 =	vmul.f32 v15, v14  }
0xaa: {  	v17 =	vld.idx.msk [tilespmem:v11+s8+$0x0], $0xffff  }
0xab: {  	v16 =	vmul.f32 v15, v16;
	v11 =	vld.idx.msk [tilespmem:v11+s7+$0x0], $0xffff;
	_ =	sdelay $0x1  }
0xac: {  	v16 =	vsub.f32 $1.500000000e+00, v16;
	_ =	sdelay $0x1  }
0xad: {  	v15 =	vmul.f32 v15, v16  }
0xae: {  	v16 =	vmul.f32 v17, v13  }
0xaf: {  	v11 =	vmul.f32 v11, v12;
	v17 =	vmul.f32 v15, v14;
	_ =	sdelay $0x1  }
0xb0: {  	v11 =	vadd.f32 v16, v11;
	v16 =	vmul.f32 v17, v15;
	_ =	sdelay $0x1  }
0xb1: {  	v16 =	vsub.f32 $1.500000000e+00, v16;
	_ =	sdelay $0x1  }
0xb2: {  	v15 =	vmul.f32 v16, v15;
	_ =	sdelay $0x1  }
0xb3: {  	v14 =	vmul.f32 v15, v14;
	_ =	sdelay $0x1  }
0xb4: {  	v14 =	vmul.f32 v14, v15  }
0xb5: {  	v16 =	vld.idx.msk [tilespmem:v8+s4+$0x0], $0xffff  }
0xb6: {  	v14 =	vsub.f32 $1.500000000e+00, v14  }
0xb7: {  	v11 =	vmul.f32 $1.899999920e-05, v11;
	v17 =	vld.idx.msk [tilespmem:v8+s6+$0x0], $0xffff  }
0xb8: {  	v14 =	vmul.f32 v14, v15  }
0xb9: {  	v15 =	vor.u32 s21, v0;
	s21 =	smov.u32 s23  }
0xba: {  	v8 =	vadd.s32 v6, v15;
	v14 =	vmul.f32 v14, v11  }
0xbb: {  	v4 =	vadd.f32 v16, v4  }
0xbc: {  	v11 =	vadd.s32 v7, v15;
	[tilespmem:s19+$0x0] =	vst v14;
	s19 =	smov.u32 s17  }
0xbd: {  	v3 =	vadd.f32 v17, v3;
	[tilespmem:s20+$0x0] =	vst v12;
	s20 =	smov.u32 s16  }
0xbe: {  	[tilespmem:s18+$0x0] =	vst v13;
	s18 =	smov.u32 s15  }
0xbf: {  	v12 =	vld.idx.msk [tilespmem:v8+s9+$0x0], $0xffff  }
.Ltmp0:
0xc0: {  	v13 =	vld.idx.msk [tilespmem:v8+s12+$0x0], $0xffff;
	(pc) =	sbr.rel @p0 .LBB2_1-.Ltmp0, $4  }
0xc1: {  	v15 =	vld.idx.msk [tilespmem:v11+s9+$0x0], $0xffff  }
0xc2: {  	v16 =	vld.idx.msk [tilespmem:v11+s12+$0x0], $0xffff  }
0xc3: {  	v14 =	vmov s21;
	v17 =	vld.idx.msk [tilespmem:v19+s9+$0x0], $0xffff  }
0xc4: {  	s24 =	smov.u32 s22;
	vm0 =	veq.s32 v14, v9;
	v14 =	vadd.s32 s21, v10;
	s15 =	sadd.s32 $0x10, s15;
	v18 =	vld.idx.msk [tilespmem:v19+s12+$0x0], $0xffff  }
0xc5: {  	_ =	sdelay $0x2  }
0xc6: {  	v9 =	vsub.f32 v16, v13;
	v10 =	vsub.f32 v17, v12  }
0xc7: {  	v12 =	vsub.f32 v15, v12;
	v13 =	vsub.f32 v18, v13  }
0xc8: {  	v9 =	vmul.f32 v9, v9;
	v15 =	vmul.f32 v10, v10  }
0xc9: {  	v12 =	vmul.f32 v12, v12;
	v56 =	vmul.f32 v13, v13;
	_ =	sdelay $0x1  }
0xca: {  	v9 =	vadd.f32 v9, v12;
	v12 =	vadd.f32 v56, v15;
	_ =	sdelay $0x1  }
0xcb: {  	v9 =	vmul.f32 v9, v12;
	_ =	sdelay $0x1  }
0xcc: {  	v12 =	vshra.s32 v9, $0x1;
	v9 =	vmul.f32 $5.000000000e-01, v9  }
0xcd: {  	v12 =	vsub.s32 $0x5F3759DF, v12  }
0xce: {  	v15 =	vmul.f32 v12, v9;
	_ =	sdelay $0x1  }
0xcf: {  	v15 =	vmul.f32 v12, v15;
	_ =	sdelay $0x1  }
0xd0: {  	v15 =	vsub.f32 $1.500000000e+00, v15;
	_ =	sdelay $0x1  }
0xd1: {  	v12 =	vmul.f32 v12, v15;
	_ =	sdelay $0x1  }
0xd2: {  	v15 =	vmul.f32 v12, v9;
	_ =	sdelay $0x1  }
0xd3: {  	v15 =	vmul.f32 v15, v12  }
0xd4: {  	v57 =	vld.idx.msk [tilespmem:v11+s8+$0x0], $0xffff  }
0xd5: {  	v11 =	vld.idx.msk [tilespmem:v11+s7+$0x0], $0xffff;
	v15 =	vsub.f32 $1.500000000e+00, v15;
	_ =	sdelay $0x1  }
0xd6: {  	v12 =	vmul.f32 v15, v12;
	_ =	sdelay $0x1  }
0xd7: {  	v9 =	vmul.f32 v12, v9  }
0xd8: {  	v11 =	vmul.f32 v11, v10  }
0xd9: {  	v15 =	vmul.f32 v57, v13;
	v9 =	vmul.f32 v9, v12;
	_ =	sdelay $0x1  }
0xda: {  	v11 =	vadd.f32 v15, v11;
	v9 =	vsub.f32 $1.500000000e+00, v9;
	_ =	sdelay $0x1  }
0xdb: {  	v11 =	vmul.f32 $1.899999920e-05, v11;
	v9 =	vmul.f32 v9, v12  }
0xdc: {  	v0 =	vor.u32 s21, v0  }
0xdd: {  	v58 =	vadd.s32 v6, v0;
	v15 =	vld.idx.msk [tilespmem:v8+s4+$0x0], $0xffff;
	v9 =	vmul.f32 v9, v11  }
0xde: {  	v12 =	vld.idx.msk [tilespmem:v8+s5+$0x0], $0xffff  }
0xdf: {  	v0 =	vadd.s32 v7, v0;
	v8 =	vld.idx.msk [tilespmem:v8+s6+$0x0], $0xffff;
	[tilespmem:s19+$0x0] =	vst v9  }
0xe0: {  	v7 =	vsel vm0, $0x0, v14;
	[tilespmem:s20+$0x0] =	vst v10  }
0xe1: {  	v6 =	vadd.s32 v6, v7;
	[tilespmem:s18+$0x0] =	vst v13  }
0xe2: {  	v7 =	vld.idx.msk [tilespmem:v58+s9+$0x0], $0xffff  }
0xe3: {  	v9 =	vld.idx.msk [tilespmem:v58+s12+$0x0], $0xffff  }
0xe4: {  	v11 =	vld.idx.msk [tilespmem:v0+s9+$0x0], $0xffff  }
0xe5: {  	v14 =	vld.idx.msk [tilespmem:v0+s12+$0x0], $0xffff  }
0xe6: {  	v59 =	vld.idx.msk [tilespmem:v6+s9+$0x0], $0xffff  }
0xe7: {  	v6 =	vld.idx.msk [tilespmem:v6+s12+$0x0], $0xffff;
	_ =	sdelay $0x3  }
0xe8: {  	v14 =	vsub.f32 v14, v9;
	v17 =	vsub.f32 v59, v7  }
0xe9: {  	v7 =	vsub.f32 v11, v7;
	v9 =	vsub.f32 v6, v9  }
0xea: {  	v6 =	vmul.f32 v14, v14;
	v11 =	vmul.f32 v17, v17  }
0xeb: {  	v7 =	vmul.f32 v7, v7;
	v14 =	vmul.f32 v9, v9;
	_ =	sdelay $0x1  }
0xec: {  	v6 =	vadd.f32 v6, v7;
	v7 =	vadd.f32 v14, v11;
	_ =	sdelay $0x1  }
0xed: {  	v6 =	vmul.f32 v6, v7;
	_ =	sdelay $0x1  }
0xee: {  	v7 =	vshra.s32 v6, $0x1;
	v6 =	vmul.f32 $5.000000000e-01, v6  }
0xef: {  	v7 =	vsub.s32 $0x5F3759DF, v7  }
0xf0: {  	v11 =	vmul.f32 v7, v6;
	_ =	sdelay $0x1  }
0xf1: {  	v11 =	vmul.f32 v7, v11;
	_ =	sdelay $0x1  }
0xf2: {  	v11 =	vsub.f32 $1.500000000e+00, v11;
	_ =	sdelay $0x1  }
0xf3: {  	v7 =	vmul.f32 v7, v11;
	_ =	sdelay $0x1  }
0xf4: {  	v11 =	vmul.f32 v7, v6  }
0xf5: {  	v14 =	vld.idx.msk [tilespmem:v0+s8+$0x0], $0xffff  }
0xf6: {  	v0 =	vld.idx.msk [tilespmem:v0+s7+$0x0], $0xffff;
	v11 =	vmul.f32 v11, v7;
	_ =	sdelay $0x1  }
0xf7: {  	v11 =	vsub.f32 $1.500000000e+00, v11;
	_ =	sdelay $0x1  }
0xf8: {  	v7 =	vmul.f32 v11, v7  }
0xf9: {  	v0 =	vmul.f32 v0, v17  }
0xfa: {  	v11 =	vmul.f32 v14, v9;
	v6 =	vmul.f32 v7, v6;
	_ =	sdelay $0x1  }
0xfb: {  	v0 =	vadd.f32 v11, v0;
	v11 =	vlaneseq.u32;
	v6 =	vmul.f32 v6, v7  }
0xfc: {  	v14 =	vmul.u32 $0xFFFFFFFF, v11  }
0xfd: {  	v6 =	vsub.f32 $1.500000000e+00, v6  }
0xfe: {  	v60 =	vmul.f32 $1.899999920e-05, v0;
	v0 =	vadd.s32 $0x14F, v14  }
0xff: {  	v7 =	vmul.f32 v6, v7;
	v6 =	vadd.s32 $0x1, v11;
	v11 =	vmov s3  }
0x100: {  	v19 =	vadd.s32 s3, v6;
	vm13 =	veq.s32 v11, v0  }
0x101: {  	v16 =	vld.idx.msk [tilespmem:v58+s6+$0x0], $0xffff;
	v7 =	vmul.f32 v7, v60;
	v61 =	vsel vm13, $0x0, v19  }
0x102: {  	s29 =	sadd.s32 $0x10, s17;
	v14 =	vld.idx.msk [tilespmem:v58+s5+$0x0], $0xffff  }
0x103: {  	s30 =	sadd.s32 $0x10, s16;
	v11 =	vld.idx.msk [tilespmem:v58+s4+$0x0], $0xffff;
	[tilespmem:s29+$0x0] =	vst v7  }
0x104: {  	[tilespmem:s30+$0x0] =	vst v17  }
0x105: {  	s3 =	simm.s32 $0x1BA8;
	[tilespmem:s15+$0x0] =	vst v9  }
0x106: {  	v62 =	vmov s13;
	v10 =	vmul.f32 v12, v10;
	v7 =	vld.idx.msk [tilespmem:v61+s3+$0x0], $0xffff  }
0x107: {  	v13 =	vmul.f32 v12, v13;
	vm14 =	veq.s32 v62, v0;
	v12 =	vadd.s32 s13, v6;
	v63 =	vld [tilespmem:s14+$0x0]  }
0x108: {  	v4 =	vadd.f32 v15, v4;
	v5 =	vadd.f32 v10, v5;
	v12 =	vsel vm14, $0x0, v12  }
0x109: {  	v2 =	vadd.f32 v13, v2;
	v13 =	vmul.f32 v14, v17;
	v9 =	vmul.f32 v14, v9  }
0x10a: {  	s31 =	simm.s32 $0x20;
	v8 =	vadd.f32 v8, v3;
	v4 =	vadd.f32 v11, v4;
	v10 =	vld [tilespmem:s11+$0x0]  }
0x10b: {  	s4 =	simm.s32 $0x1BB8;
	v14 =	vld [tilespmem:s10+$0x0];
	v3 =	vadd.f32 v9, v2;
	v2 =	vadd.f32 v13, v5;
	v5 =	vmov s31  }
0x10c: {  	v11 =	vld [tilespmem:s4+$0x0];
	v9 =	vadd.s32 s31, v6;
	vm15 =	veq.s32 v5, v0;
	v15 =	vadd.f32 v7, v63  }
0x10d: {  	v7 =	vld.idx.msk [tilespmem:v12+s3+$0x0], $0xffff;
	v12 =	vsel vm15, $0x0, v9  }
0x10e: {  	v13 =	vmul.f32 $5.000000000e-01, v15  }
0x10f: {  	s5 =	simm.s32 $0x1D08;
	v5 =	vadd.f32 v16, v8  }
0x110: {  	s6 =	simm.s32 $0x1E58;
	s7 =	simm.s32 $0x30;
	v8 =	vld [tilespmem:s5+$0x0];
	v9 =	vimm.f32 $0.0e+00;
	v10 =	vmul.f32 v13, v10;
	v13 =	vmul.f32 v14, v13  }
.LBB2_3:
0x111: {  	v14 =	vmov s7;
	v15 =	vadd.s32 s7, v6;
	p0 =	sne.s32 s7, $0x140;
	s7 =	sadd.s32 $0x10, s7;
	v16 =	vld [tilespmem:s6+$0x0]  }
.Ltmp1:
0x112: {  	s4 =	sadd.s32 $0x10, s4;
	vm0 =	veq.s32 v14, v0;
	v14 =	vadd.f32 v7, v11;
	v7 =	vld.idx.msk [tilespmem:v12+s3+$0x0], $0xffff;
	v1 =	vadd.f32 v13, v1;
	(pc) =	sbr.rel @p0 .LBB2_3-.Ltmp1, $4  }
0x113: {  	v9 =	vadd.f32 v10, v9;
	v12 =	vsel vm0, $0x0, v15;
	v11 =	vld [tilespmem:s4+$0x0]  }
0x114: {  	v13 =	vmul.f32 $5.000000000e-01, v14  }
0x115: {  	s5 =	sadd.s32 $0x10, s5  }
0x116: {  	s6 =	sadd.s32 $0x10, s6;
	v10 =	vmul.f32 v13, v8;
	v8 =	vld [tilespmem:s5+$0x0];
	v13 =	vmul.f32 v16, v13  }
0x117: {  	_ =	sdelay $0x3  }
0x118: {  	v0 =	vld.idx.msk [tilespmem:v12+s3+$0x0], $0xffff;
	s13 =	sadd.s32 $0x10, s4  }
0x119: {  	v6 =	vld [tilespmem:s13+$0x0];
	_ =	sdelay $0x2  }
0x11a: {  	v50 =	vld [tilespmem:s6+$0x0];
	s14 =	sadd.s32 $0x10, s5;
	v7 =	vadd.f32 v7, v11  }
0x11b: {  	v51 =	vld [tilespmem:s14+$0x0]  }
0x11c: {  	s15 =	sadd.s32 $0x10, s6;
	v7 =	vmul.f32 $5.000000000e-01, v7;
	v0 =	vadd.f32 v0, v6  }
0x11d: {  	v52 =	vld [tilespmem:s15+$0x0]  }
0x11e: {  	v9 =	vadd.f32 v10, v9;
	v8 =	vmul.f32 v7, v8;
	v0 =	vmul.f32 $5.000000000e-01, v0  }
0x11f: {  	v1 =	vadd.f32 v13, v1  }
0x120: {  	v7 =	vmul.f32 v50, v7;
	v8 =	vadd.f32 v8, v9;
	v53 =	vmul.f32 v0, v51;
	_ =	sdelay $0x1  }
0x121: {  	v1 =	vadd.f32 v7, v1;
	v0 =	vmul.f32 v52, v0;
	v54 =	vadd.f32 v53, v8;
	_ =	sdelay $0x1  }
0x122: {  	v0 =	vadd.f32 v0, v1;
	(xrf2) =	vadd.scan.msk.f32 $0xffff, v54  }
0x123: {  	(xrf2) =	vadd.scan.msk.f32 $0xffff, v3  }
0x124: {  	(xrf2) =	vadd.scan.msk.f32 $0xffff, v0  }
0x125: {  	(xrf2) =	vadd.scan.msk.f32 $0xffff, v2  }
0x126: {  	(xrf2) =	vadd.scan.msk.f32 $0xffff, v4  }
0x127: {  	(xrf2) =	vadd.scan.msk.f32 $0xffff, v5;
	_ =	sdelay $0x4  }
0x128: {  	v55, _, _ =	vpop (xrf2)  }
0x129: {  	v56, _, _ =	vpop (xrf2);
	(v2sf) =	vpush v55, $0xF  }
0x12a: {  	v57, _, _ =	vpop (xrf2);
	(v2sf) =	vpush v56, $0xF  }
0x12b: {  	v58, _, _ =	vpop (xrf2);
	(v2sf) =	vpush v57, $0xF  }
0x12c: {  	v59, _, _ =	vpop (xrf2);
	(v2sf) =	vpush v58, $0xF  }
0x12d: {  	(v2sf) =	vpush v59, $0xF;
	v60, _, _ =	vpop (xrf2)  }
0x12e: {  	(v2sf) =	vpush v60, $0xF;
	_ =	sdelay $0x9  }
0x12f: {  	s16 =	spop (v2sf)  }
0x130: {  	s17 =	spop (v2sf)  }
0x131: {  	s18 =	spop (v2sf)  }
0x132: {  	s19 =	spop (v2sf)  }
0x133: {  	s7 =	spop (v2sf)  }
0x134: {  	s8 =	spop (v2sf)  }
0x135: {  	s8 =	smul.f32 $3.116659350e-04, s8;
	_ =	sdelay $0x1  }
0x136: {  	s9 =	smul.f32 s8, s8  }
0x137: {  	s7 =	smul.f32 $8.928571480e-04, s7  }
0x138: {  	s10 =	smul.f32 $-1.388888920e-03, s9  }
0x139: {  	s7 =	sadd.f32 $3.000000120e-01, s7;
	s11 =	smul.f32 $-1.984127010e-04, s9  }
0x13a: {  	s10 =	sadd.f32 $4.166666790e-02, s10  }
0x13b: {  	s7 =	smul.f32 $3.471887210e+02, s7;
	s11 =	sadd.f32 $8.333333770e-03, s11  }
0x13c: {  	s10 =	smul.f32 s10, s9  }
0x13d: {  	s11 =	smul.f32 s11, s9  }
0x13e: {  	s3 =	smul.f32 $5.000000000e+01, s16;
	s10 =	sadd.f32 $-5.000000000e-01, s10  }
0x13f: {  	s12 =	smul.f32 $6.125000110e-01, s7;
	s11 =	sadd.f32 $-1.666666720e-01, s11  }
0x140: {  	s10 =	smul.f32 s10, s9  }
0x141: {  	s9 =	smul.f32 s11, s9  }
0x142: {  	s3 =	ssub.f32 s3, s17;
	s5 =	smul.f32 $5.000000000e+01, s18  }
0x143: {  	s20 =	smul.f32 s12, s7;
	s21 =	sadd.f32 $1.000000000e+00, s9  }
0x144: {  	s22 =	sadd.f32 $1.000000000e+00, s10  }
0x145: {  	s5 =	sadd.f32 s5, s19;
	v61 =	vmov s20;
	s23 =	smul.f32 s21, s8  }
0x146: {  	(erf) = vrcp.f32 v61;
	s3 =	smul.f32 s3, s22  }
0x147: {  	s24 =	smul.f32 s5, s23;
	_ =	sdelay $0x1  }
0x148: {  	s3 =	sadd.f32 s24, s3  }
0x149: {  	s25 =	smul.f32 s5, s22  }
0x14a: {  	s26 =	smul.f32 s3, s23;
	_ =	sdelay $0x1  }
0x14b: {  	vm0 =	vcmask $0x300;
	v62 =	vmov s3;
	s4 =	ssub.f32 s25, s26  }
0x14c: {  	vm15 =	vcmask $0x704;
	v0 =	vnsel vm0, $0x0, v62  }
0x14d: {  	v63 =	vpop (erf);
	v0 =	vsel vm15, s4, v0  }
0x14e: {  	v0 =	vmul.f32 v0, v63  }
0x14f: {  	s28 =	sshll.u32 s1, $0x1;
	s29 =	simm.s32 $0x0  }
0x150: {  	s30 =	simm.s32 $0x1F98;
	s31 =	simm.s32 $0x2;
	s2 =	sadd.s32 s2, s28;
	[tilespmem:$0x1F98] =	vst v0  }
0x151: {  	[hbm4b:s2+s29] =	stream.linear.scatter [tilespmem:s30], [sflag:$0x2], $0x10, $0x38;
	[tilespmem:$0x1FB8] =	vst v63  }
0x152: {  	_ =	swait.ge [sflag:s31], $0x10  }
0x153: {  	[sflag:s31] =	ssyncset.done $0x0  }
0x154: {  	[sflag:s31] =	ssyncadd.s32 $0xFFFFFFF0  }
0x155: {  	_ =	sfence.sel $0x180000  }
0x156: {  	[bflag:$0x0] =	sbarrier.arrive $0xFFFF  }
0x157: {  	p0 =	sne.s32 s1, $0x0;
	_ =	strace $0x90000047  }
0x158: {  	s0 =	sadd.s32 @!p0 $0x100000, s0;
	[bflag:$0x2] =	sbarrier.arrive $0xFFFF  }
0x159: {  	[sflag:s0] =	ssyncadd.tile.s32 @!p0 $0x1;
	_ =	shalt  }
.Lfunc_end2:
_tile_overlayer_lowered:
.L_overlay_start_2:
0x15a: {  	(tag) =	ssettag $0x2  }
0x15b: {  	s0 =	rddreg [dreg:$0x0];
	s2 =	stileid.u32  }
0x15c: {  	s1 =	rddreg [dreg:$0x1];
	p0 =	sne.s32 s2, $0x0  }
0x15d: {  	s3 =	rddreg [dreg:$0x2];
	[bflag:$0x3] =	sbarrier.arrive $0xFFFF;
	s2 =	simm.s32 @!p0 $0x1C02  }
0x15e: {  	[timem:s3], [sflag:s2] =	dma.local @!p0 [hbm:s0], s1  }
0x15f: {  	s0 =	simm.s32 @!p0 $0x2  }
0x160: {  	_ =	swait.ge @!p0 [sflag:s0], s1  }
0x161: {  	s1 =	ssub.s32 @!p0 $0x0, s1;
	[sflag:s0] =	ssyncset.done @!p0 $0x0  }
0x162: {  	[sflag:s0] =	ssyncadd.s32 @!p0 s1  }
0x163: {  	[bflag:$0x3] =	sbarrier.arrive $0xFFFF  }
0x164: {  	_ =	shalt  }

</sc_bundles>
